<compile_context>
chip_gen: v7x
topology: tpu7x:2x2x1
jax: 0.10.2.dev20260603
libtpu: 0.0.44.dev20260713+nightly
codegen_flags: <defaults>
</compile_context>

<pallas_src>
import functools

import jax
import jax.numpy as jnp
from jax import lax
from jax.experimental import pallas as pl
from jax.experimental.pallas import tpu as pltpu
from jax.experimental.pallas import tpu_sc as plsc

N = 10000
E = 320000
H = 128
C = 40
G = 64

NC = 2
NS = 16
NT = NC * NS
EPT = E // NT
CHUNK = 80
NCHUNK = EPT // CHUNK
NPAD = 10240
RPT = NPAD // NS

BK = 1000

_mesh = plsc.VectorSubcoreMesh(core_axis_name="c", subcore_axis_name="s")


@functools.partial(
    pl.kernel,
    mesh=_mesh,
    out_type=jax.ShapeDtypeStruct((NC, NPAD), jnp.float32),
    scratch_types=[
        pltpu.VMEM((CHUNK,), jnp.int32),
        pltpu.VMEM((CHUNK,), jnp.float32),
        pltpu.VMEM_SHARED((NPAD,), jnp.float32),
    ],
)
def _sc_deg(dst_hbm, zer_hbm, out_hbm, idx_v, ones_v, acc_sh):
    c = lax.axis_index("c")
    s = lax.axis_index("s")
    pltpu.sync_copy(zer_hbm, acc_sh.at[pl.ds(s * RPT, RPT)])
    for j in range(CHUNK // 16):
        ones_v[pl.ds(j * 16, 16)] = jnp.ones((16,), jnp.float32)
    plsc.subcore_barrier()
    base = (c * NS + s) * EPT

    def body(i, carry):
        off = base + i * CHUNK
        pltpu.sync_copy(dst_hbm.at[pl.ds(off, CHUNK)], idx_v)
        pltpu.sync_copy(ones_v, acc_sh.at[idx_v], add=True)
        return carry

    lax.fori_loop(0, NCHUNK, body, 0)
    plsc.subcore_barrier()
    pltpu.sync_copy(acc_sh.at[pl.ds(s * RPT, RPT)],
                    out_hbm.at[c, pl.ds(s * RPT, RPT)])


@functools.partial(
    pl.kernel,
    mesh=_mesh,
    out_type=jax.ShapeDtypeStruct((NC, NPAD, H), jnp.float32),
    scratch_types=[
        pltpu.VMEM((CHUNK,), jnp.int32),
        pltpu.VMEM((CHUNK,), jnp.int32),
        pltpu.VMEM((CHUNK, H), jnp.float32),
        pltpu.VMEM_SHARED((NPAD, H), jnp.float32),
        pltpu.SemaphoreType.DMA,
    ],
)
def _sc_msg(src_hbm, dst_hbm, tab_hbm, zer_hbm, out_hbm,
            si_v, di_v, rows_v, acc_sh, sem):
    c = lax.axis_index("c")
    s = lax.axis_index("s")
    pltpu.sync_copy(zer_hbm, acc_sh.at[pl.ds(s * RPT, RPT)])
    plsc.subcore_barrier()
    base = (c * NS + s) * EPT

    def body(i, carry):
        off = base + i * CHUNK
        pltpu.sync_copy(src_hbm.at[pl.ds(off, CHUNK)], si_v)
        pltpu.sync_copy(dst_hbm.at[pl.ds(off, CHUNK)], di_v)
        pltpu.async_copy(tab_hbm.at[si_v], rows_v, sem).wait()
        pltpu.sync_copy(rows_v, acc_sh.at[di_v], add=True)
        return carry

    lax.fori_loop(0, NCHUNK, body, 0)
    plsc.subcore_barrier()
    pltpu.sync_copy(acc_sh.at[pl.ds(s * RPT, RPT)],
                    out_hbm.at[c, pl.ds(s * RPT, RPT)])


def _k1_body(x_ref, w_ref, d0_ref, d1_ref, t_ref):
    dinv = lax.rsqrt(d0_ref[...] + d1_ref[...] + 1.0)
    t_ref[...] = jnp.dot(x_ref[...], w_ref[...],
                         preferred_element_type=jnp.float32) * dinv


def _k1(x, w, d0, d1):
    return pl.pallas_call(
        _k1_body,
        grid=(N // BK,),
        in_specs=[
            pl.BlockSpec((BK, H), lambda i: (i, 0)),
            pl.BlockSpec((H, H), lambda i: (0, 0)),
            pl.BlockSpec((BK, 1), lambda i: (i, 0)),
            pl.BlockSpec((BK, 1), lambda i: (i, 0)),
        ],
        out_specs=pl.BlockSpec((BK, H), lambda i: (i, 0)),
        out_shape=jax.ShapeDtypeStruct((N, H), jnp.float32),
    )(x, w, d0, d1)


def _k2_body(a0_ref, a1_ref, t_ref, d0_ref, d1_ref, b_ref, z_ref, st_ref):
    i = pl.program_id(0)
    dinv = lax.rsqrt(d0_ref[...] + d1_ref[...] + 1.0)
    z = dinv * (a0_ref[...] + a1_ref[...] + t_ref[...]) + b_ref[...]
    z_ref[...] = z
    ssum = jnp.sum(z, axis=0, keepdims=True)
    ssq = jnp.sum(z * z, axis=0, keepdims=True)
    blk = jnp.concatenate([ssum, ssq, jnp.zeros((6, H), jnp.float32)], axis=0)

    @pl.when(i == 0)
    def _():
        st_ref[...] = blk

    @pl.when(i > 0)
    def _():
        st_ref[...] += blk


def _k2(a0, a1, t, d0, d1, b):
    return pl.pallas_call(
        _k2_body,
        grid=(N // BK,),
        in_specs=[
            pl.BlockSpec((BK, H), lambda i: (i, 0)),
            pl.BlockSpec((BK, H), lambda i: (i, 0)),
            pl.BlockSpec((BK, H), lambda i: (i, 0)),
            pl.BlockSpec((BK, 1), lambda i: (i, 0)),
            pl.BlockSpec((BK, 1), lambda i: (i, 0)),
            pl.BlockSpec((1, H), lambda i: (0, 0)),
        ],
        out_specs=[
            pl.BlockSpec((BK, H), lambda i: (i, 0)),
            pl.BlockSpec((8, H), lambda i: (0, 0)),
        ],
        out_shape=[
            jax.ShapeDtypeStruct((N, H), jnp.float32),
            jax.ShapeDtypeStruct((8, H), jnp.float32),
        ],
    )(a0, a1, t, d0, d1, b)


def _k3_body(z_ref, st_ref, g_ref, be_ref, d0_ref, d1_ref, w_ref, t_ref):
    mean = st_ref[0:1, :] * (1.0 / N)
    var = st_ref[1:2, :] * (1.0 / N) - mean * mean
    rstd = lax.rsqrt(var + 1e-5)
    h = jnp.maximum((z_ref[...] - mean) * rstd * g_ref[...] + be_ref[...], 0.0)
    dinv = lax.rsqrt(d0_ref[...] + d1_ref[...] + 1.0)
    t_ref[...] = jnp.dot(h, w_ref[...],
                         preferred_element_type=jnp.float32) * dinv


def _k3(z, st, g, be, d0, d1, w):
    return pl.pallas_call(
        _k3_body,
        grid=(N // BK,),
        in_specs=[
            pl.BlockSpec((BK, H), lambda i: (i, 0)),
            pl.BlockSpec((8, H), lambda i: (0, 0)),
            pl.BlockSpec((1, H), lambda i: (0, 0)),
            pl.BlockSpec((1, H), lambda i: (0, 0)),
            pl.BlockSpec((BK, 1), lambda i: (i, 0)),
            pl.BlockSpec((BK, 1), lambda i: (i, 0)),
            pl.BlockSpec((H, H), lambda i: (0, 0)),
        ],
        out_specs=pl.BlockSpec((BK, H), lambda i: (i, 0)),
        out_shape=jax.ShapeDtypeStruct((N, H), jnp.float32),
    )(z, st, g, be, d0, d1, w)


def _k5_body(z_ref, st_ref, g_ref, be_ref, bt_ref, s_ref, c_ref):
    i = pl.program_id(0)
    mean = st_ref[0:1, :] * (1.0 / N)
    var = st_ref[1:2, :] * (1.0 / N) - mean * mean
    rstd = lax.rsqrt(var + 1e-5)
    h = jnp.maximum((z_ref[...] - mean) * rstd * g_ref[...] + be_ref[...], 0.0)
    lanes = lax.broadcasted_iota(jnp.int32, (BK, 128), 1)
    onehot = (bt_ref[...] == lanes).astype(jnp.float32)
    sblk = lax.dot_general(onehot, h, (((0,), (0,)), ((), ())),
                           preferred_element_type=jnp.float32)
    cblk = lax.dot_general(onehot, jnp.ones((BK, 128), jnp.float32),
                           (((0,), (0,)), ((), ())),
                           preferred_element_type=jnp.float32)

    @pl.when(i == 0)
    def _():
        s_ref[...] = sblk
        c_ref[...] = cblk

    @pl.when(i > 0)
    def _():
        s_ref[...] += sblk
        c_ref[...] += cblk


def _k5(z, st, g, be, bt):
    return pl.pallas_call(
        _k5_body,
        grid=(N // BK,),
        in_specs=[
            pl.BlockSpec((BK, H), lambda i: (i, 0)),
            pl.BlockSpec((8, H), lambda i: (0, 0)),
            pl.BlockSpec((1, H), lambda i: (0, 0)),
            pl.BlockSpec((1, H), lambda i: (0, 0)),
            pl.BlockSpec((BK, 1), lambda i: (i, 0)),
        ],
        out_specs=[
            pl.BlockSpec((128, 128), lambda i: (0, 0)),
            pl.BlockSpec((128, 128), lambda i: (0, 0)),
        ],
        out_shape=[
            jax.ShapeDtypeStruct((128, 128), jnp.float32),
            jax.ShapeDtypeStruct((128, 128), jnp.float32),
        ],
    )(z, st, g, be, bt)


def _k6_body(s_ref, c_ref, w_ref, b_ref, o_ref):
    pooled = s_ref[...] / jnp.maximum(c_ref[...], 1.0)
    o_ref[...] = jnp.dot(pooled, w_ref[...],
                         preferred_element_type=jnp.float32) + b_ref[...]


def _k6(s, cnt, w, b):
    return pl.pallas_call(
        _k6_body,
        out_shape=jax.ShapeDtypeStruct((128, 128), jnp.float32),
    )(s, cnt, w, b)


def kernel(x, edge_index, batch, W1, b1, g1, be1, W2, b2, g2, be2, fcW, fcb):
    src = edge_index[0]
    dst = edge_index[1]
    zer1 = jnp.zeros((RPT,), jnp.float32)
    zer2 = jnp.zeros((RPT, H), jnp.float32)

    degp = _sc_deg(dst, zer1)
    d0 = degp[0, :N].reshape(N, 1)
    d1 = degp[1, :N].reshape(N, 1)

    t1 = _k1(x, W1, d0, d1)
    accp = _sc_msg(src, dst, t1, zer2)
    z1, st1 = _k2(accp[0, :N], accp[1, :N], t1, d0, d1, b1.reshape(1, H))

    t2 = _k3(z1, st1, g1.reshape(1, H), be1.reshape(1, H), d0, d1, W2)
    accp2 = _sc_msg(src, dst, t2, zer2)
    z2, st2 = _k2(accp2[0, :N], accp2[1, :N], t2, d0, d1, b2.reshape(1, H))

    s, cnt = _k5(z2, st2, g2.reshape(1, H), be2.reshape(1, H),
                 batch.reshape(N, 1))
    wp = jnp.pad(fcW, ((0, 0), (0, 128 - C)))
    bp = jnp.pad(fcb, (0, 128 - C)).reshape(1, 128)
    out = _k6(s, cnt, wp, bp)
    return out[:G, :C]

# --- scband reference (transcript-rebuilt; emitter-appended) ---
"""Pipeline reference for scband-gcn-12249246728930 (READ-ONLY COPY).

The authoritative reference and input builder live on the scoring server;
editing this copy changes nothing except your own understanding.
"""

import jax, jax.numpy as jnp
import numpy as np

N = 10000
E = 320000
D = 128
H = 128
C = 40
G = 64


def setup_inputs(seed: int = 0) -> dict:
    key = jax.random.key(seed)
    ks = jax.random.split(key, 16)
    x = jax.random.normal(ks[0], (N, D), dtype=jnp.float32)
    edge_index = jax.random.randint(ks[1], (2, E), 0, N, dtype=jnp.int32)
    batch = jnp.sort(jax.random.randint(ks[2], (N,), 0, G, dtype=jnp.int32))
    W1 = jax.random.normal(ks[3], (D, H), dtype=jnp.float32) * (1.0 / np.sqrt(D))
    b1 = jnp.zeros((H,), dtype=jnp.float32)
    g1 = jnp.ones((H,), dtype=jnp.float32)
    be1 = jnp.zeros((H,), dtype=jnp.float32)
    W2 = jax.random.normal(ks[4], (H, H), dtype=jnp.float32) * (1.0 / np.sqrt(H))
    b2 = jnp.zeros((H,), dtype=jnp.float32)
    g2 = jnp.ones((H,), dtype=jnp.float32)
    be2 = jnp.zeros((H,), dtype=jnp.float32)
    fcW = jax.random.normal(ks[5], (H, C), dtype=jnp.float32) * (1.0 / np.sqrt(H))
    fcb = jnp.zeros((C,), dtype=jnp.float32)
    return {"x": x, "edge_index": edge_index, "batch": batch,
            "W1": W1, "b1": b1, "g1": g1, "be1": be1,
            "W2": W2, "b2": b2, "g2": g2, "be2": be2,
            "fcW": fcW, "fcb": fcb}


def reference(x, edge_index, batch, W1, b1, g1, be1, W2, b2, g2, be2, fcW, fcb):
    n = x.shape[0]
    loop = jnp.arange(n, dtype=edge_index.dtype)
    src = jnp.concatenate([edge_index[0], loop])
    dst = jnp.concatenate([edge_index[1], loop])
    deg = jnp.zeros((n,), x.dtype).at[dst].add(1.0)
    dinv = jnp.where(deg > 0, 1.0 / jnp.sqrt(deg), 0.0)
    norm = dinv[src] * dinv[dst]

    def conv(h, W, b):
        hw = h @ W
        msg = hw[src] * norm[:, None]
        return jnp.zeros_like(hw).at[dst].add(msg) + b

    def bn(h, g, be):
        m = h.mean(axis=0)
        v = h.var(axis=0)
        return (h - m) / jnp.sqrt(v + 1e-5) * g + be

    h = jax.nn.relu(bn(conv(x, W1, b1), g1, be1))
    # dropout is identity in eval mode
    h = jax.nn.relu(bn(conv(h, W2, b2), g2, be2))
    ones = jnp.ones((n,), h.dtype)
    cnt = jax.ops.segment_sum(ones, batch, num_segments=G)
    s = jax.ops.segment_sum(h, batch, num_segments=G)
    pooled = s / jnp.maximum(cnt, 1.0)[:, None]
    return pooled @ fcW + fcb

if __name__ == "__main__":
    import jax
    _d = setup_inputs()
    print(jax.jit(kernel)(*tuple(_d.values())))

</pallas_src>

<mosaic_0001>
#map = affine_map<(d0, d1) -> (0)>
#map1 = affine_map<(d0, d1) -> (0, 0)>
#map2 = affine_map<(d0, d1) -> (0, 0, 0)>
module attributes {stable_mosaic.version = 14 : i64} {
  func.func @_sc_msg(%arg0: i32, %arg1: i32, %arg2: memref<320000xi32, #tpu.memory_space<hbm>>, %arg3: memref<320000xi32, #tpu.memory_space<hbm>>, %arg4: memref<10000x128xf32, #tpu.memory_space<hbm>>, %arg5: memref<640x128xf32, #tpu.memory_space<hbm>>, %arg6: memref<2x10240x128xf32, #tpu.memory_space<hbm>>, %arg7: memref<80xi32, #tpu.memory_space<vmem>>, %arg8: memref<80xi32, #tpu.memory_space<vmem>>, %arg9: memref<80x128xf32, #tpu.memory_space<vmem>>, %arg10: memref<10240x128xf32, #tpu.memory_space<vmem_shared>>, %arg11: memref<!tpu.dma_semaphore, #tpu.memory_space<semaphore_mem>>) attributes {dimension_semantics = [#tpu.dimension_semantics<core_parallel>, #tpu.dimension_semantics<subcore_parallel>], iteration_bounds = array<i64: 2, 16>, scalar_prefetch = 0 : i64, scratch_operands = 5 : i64, tpu.core_type = #tpu.core_type<sc_vector_subcore>, window_params = [{transform_indices = #map}, {transform_indices = #map}, {transform_indices = #map1}, {transform_indices = #map1}, {transform_indices = #map2}]} {
    %mul3A = arith.constant 640 : i32
    %mul3A_0 = arith.muli %arg1, %mul3A : i32
    "tpu.region"() ({
      %run_scoped3A = tpu.sem_alloc : memref<!tpu.dma_semaphore, #tpu.memory_space<semaphore_mem>>
      %dma_start3A = arith.constant 0 : i32
      %dma_start3A_15 = tpu.memref_slice %arg10[%mul3A_0, %dma_start3A] : memref<10240x128xf32, #tpu.memory_space<vmem_shared>> -> memref<640x128xf32, #tpu.memory_space<vmem_shared>>
      tpu.enqueue_dma source(%arg5 : memref<640x128xf32, #tpu.memory_space<hbm>>) target(%dma_start3A_15 : memref<640x128xf32, #tpu.memory_space<vmem_shared>>) target_semaphore(%run_scoped3A : memref<!tpu.dma_semaphore, #tpu.memory_space<semaphore_mem>>)
      %dma_wait3A = arith.constant 0 : i32
      %dma_wait3A_16 = tpu.memref_slice %arg10[%mul3A_0, %dma_wait3A] : memref<10240x128xf32, #tpu.memory_space<vmem_shared>> -> memref<640x128xf32, #tpu.memory_space<vmem_shared>>
      tpu.wait_dma2 semaphore(%run_scoped3A : memref<!tpu.dma_semaphore, #tpu.memory_space<semaphore_mem>>) src(%arg5 : memref<640x128xf32, #tpu.memory_space<hbm>>) dst(%dma_wait3A_16 : memref<640x128xf32, #tpu.memory_space<vmem_shared>>)
      tpu.yield
    }) : () -> ()
    %barrier3A = arith.constant 0 : index
    tpu.barrier barrier_id(%barrier3A)
    %mul3A_1 = arith.constant 16 : i32
    %mul3A_2 = arith.muli %arg0, %mul3A_1 : i32
    %add3A = arith.addi %mul3A_2, %arg1 : i32
    %mul3A_3 = arith.constant 10000 : i32
    %mul3A_4 = arith.muli %add3A, %mul3A_3 : i32
    %scan3A = arith.constant 0 : i32
    %scan3A_5 = arith.constant 0 : i32
    %scan3A_6 = arith.constant 125 : i32
    %scan3A_7 = arith.addi %scan3A_5, %scan3A_6 : i32
    %scan3A_8 = arith.constant 1 : i32
    scf.for %scan3A_15 = %scan3A_5 to %scan3A_7 step %scan3A_8  : i32 {
      %mul3A_16 = arith.constant 80 : i32
      %mul3A_17 = arith.muli %scan3A_15, %mul3A_16 : i32
      %add3A_18 = arith.addi %mul3A_4, %mul3A_17 : i32
      "tpu.region"() ({
        %run_scoped3A = tpu.sem_alloc : memref<!tpu.dma_semaphore, #tpu.memory_space<semaphore_mem>>
        %dma_start3A_23 = tpu.memref_slice %arg2[%add3A_18] : memref<320000xi32, #tpu.memory_space<hbm>> -> memref<80xi32, #tpu.memory_space<hbm>>
        %dma_start3A_24 = tpu.memref_slice %arg2[%add3A_18] : memref<320000xi32, #tpu.memory_space<hbm>> -> memref<80xi32, #tpu.memory_space<hbm>>
        tpu.enqueue_dma source(%dma_start3A_24 : memref<80xi32, #tpu.memory_space<hbm>>) target(%arg7 : memref<80xi32, #tpu.memory_space<vmem>>) target_semaphore(%run_scoped3A : memref<!tpu.dma_semaphore, #tpu.memory_space<semaphore_mem>>)
        %dma_wait3A_25 = tpu.memref_slice %arg2[%add3A_18] : memref<320000xi32, #tpu.memory_space<hbm>> -> memref<80xi32, #tpu.memory_space<hbm>>
        %dma_wait3A_26 = tpu.memref_slice %arg2[%add3A_18] : memref<320000xi32, #tpu.memory_space<hbm>> -> memref<80xi32, #tpu.memory_space<hbm>>
        tpu.wait_dma2 semaphore(%run_scoped3A : memref<!tpu.dma_semaphore, #tpu.memory_space<semaphore_mem>>) src(%dma_wait3A_26 : memref<80xi32, #tpu.memory_space<hbm>>) dst(%arg7 : memref<80xi32, #tpu.memory_space<vmem>>)
        tpu.yield
      }) : () -> ()
      "tpu.region"() ({
        %run_scoped3A = tpu.sem_alloc : memref<!tpu.dma_semaphore, #tpu.memory_space<semaphore_mem>>
        %dma_start3A_23 = tpu.memref_slice %arg3[%add3A_18] : memref<320000xi32, #tpu.memory_space<hbm>> -> memref<80xi32, #tpu.memory_space<hbm>>
        %dma_start3A_24 = tpu.memref_slice %arg3[%add3A_18] : memref<320000xi32, #tpu.memory_space<hbm>> -> memref<80xi32, #tpu.memory_space<hbm>>
        tpu.enqueue_dma source(%dma_start3A_24 : memref<80xi32, #tpu.memory_space<hbm>>) target(%arg8 : memref<80xi32, #tpu.memory_space<vmem>>) target_semaphore(%run_scoped3A : memref<!tpu.dma_semaphore, #tpu.memory_space<semaphore_mem>>)
        %dma_wait3A_25 = tpu.memref_slice %arg3[%add3A_18] : memref<320000xi32, #tpu.memory_space<hbm>> -> memref<80xi32, #tpu.memory_space<hbm>>
        %dma_wait3A_26 = tpu.memref_slice %arg3[%add3A_18] : memref<320000xi32, #tpu.memory_space<hbm>> -> memref<80xi32, #tpu.memory_space<hbm>>
        tpu.wait_dma2 semaphore(%run_scoped3A : memref<!tpu.dma_semaphore, #tpu.memory_space<semaphore_mem>>) src(%dma_wait3A_26 : memref<80xi32, #tpu.memory_space<hbm>>) dst(%arg8 : memref<80xi32, #tpu.memory_space<vmem>>)
        tpu.yield
      }) : () -> ()
      %dma_start3A = arith.constant 0 : i32
      %dma_start3A_19 = arith.constant 0 : i32
      %dma_start3A_20 = tpu.memref_slice %arg4[%dma_start3A, %dma_start3A_19] : memref<10000x128xf32, #tpu.memory_space<hbm>> -> memref<10000x128xf32, #tpu.memory_space<hbm>>
      tpu.enqueue_indirect_dma source(%dma_start3A_20 : memref<10000x128xf32, #tpu.memory_space<hbm>>) target(%arg9 : memref<80x128xf32, #tpu.memory_space<vmem>>) offsets(%arg7 : memref<80xi32, #tpu.memory_space<vmem>>) semaphore(%arg11 : memref<!tpu.dma_semaphore, #tpu.memory_space<semaphore_mem>>)
      %dma_wait3A = arith.constant 0 : i32
      %dma_wait3A_21 = arith.constant 0 : i32
      %dma_wait3A_22 = tpu.memref_slice %arg4[%dma_wait3A, %dma_wait3A_21] : memref<10000x128xf32, #tpu.memory_space<hbm>> -> memref<10000x128xf32, #tpu.memory_space<hbm>>
      tpu.wait_indirect_dma semaphore(%arg11 : memref<!tpu.dma_semaphore, #tpu.memory_space<semaphore_mem>>) src(%dma_wait3A_22 : memref<10000x128xf32, #tpu.memory_space<hbm>>) dst(%arg9 : memref<80x128xf32, #tpu.memory_space<vmem>>)
      "tpu.region"() ({
        %run_scoped3A = tpu.sem_alloc : memref<!tpu.dma_semaphore, #tpu.memory_space<semaphore_mem>>
        %dma_start3A_23 = arith.constant 0 : i32
        %dma_start3A_24 = arith.constant 0 : i32
        %dma_start3A_25 = tpu.memref_slice %arg10[%dma_start3A_23, %dma_start3A_24] : memref<10240x128xf32, #tpu.memory_space<vmem_shared>> -> memref<10240x128xf32, #tpu.memory_space<vmem_shared>>
        tpu.enqueue_indirect_dma source(%arg9 : memref<80x128xf32, #tpu.memory_space<vmem>>) target(%dma_start3A_25 : memref<10240x128xf32, #tpu.memory_space<vmem_shared>>) offsets(%arg8 : memref<80xi32, #tpu.memory_space<vmem>>) semaphore(%run_scoped3A : memref<!tpu.dma_semaphore, #tpu.memory_space<semaphore_mem>>) {add = true}
        %dma_wait3A_26 = arith.constant 0 : i32
        %dma_wait3A_27 = arith.constant 0 : i32
        %dma_wait3A_28 = tpu.memref_slice %arg10[%dma_wait3A_26, %dma_wait3A_27] : memref<10240x128xf32, #tpu.memory_space<vmem_shared>> -> memref<10240x128xf32, #tpu.memory_space<vmem_shared>>
        tpu.wait_indirect_dma semaphore(%run_scoped3A : memref<!tpu.dma_semaphore, #tpu.memory_space<semaphore_mem>>) src(%arg9 : memref<80x128xf32, #tpu.memory_space<vmem>>) dst(%dma_wait3A_28 : memref<10240x128xf32, #tpu.memory_space<vmem_shared>>)
        tpu.yield
      }) : () -> ()
    }
    %scan3A_9 = arith.constant 125 : i32
    %barrier3A_10 = arith.constant 0 : index
    tpu.barrier barrier_id(%barrier3A_10)
    %mul3A_11 = arith.constant 640 : i32
    %mul3A_12 = arith.muli %arg1, %mul3A_11 : i32
    %mul3A_13 = arith.constant 640 : i32
    %mul3A_14 = arith.muli %arg1, %mul3A_13 : i32
    "tpu.region"() ({
      %run_scoped3A = tpu.sem_alloc : memref<!tpu.dma_semaphore, #tpu.memory_space<semaphore_mem>>
      %dma_start3A = arith.constant 0 : i32
      %dma_start3A_15 = tpu.memref_slice %arg6[%arg0, %mul3A_14, %dma_start3A] : memref<2x10240x128xf32, #tpu.memory_space<hbm>> -> memref<1x640x128xf32, #tpu.memory_space<hbm>>
      %dma_start3A_16 = tpu.memref_squeeze %dma_start3A_15 : memref<1x640x128xf32, #tpu.memory_space<hbm>> -> memref<640x128xf32, #tpu.memory_space<hbm>>
      %dma_start3A_17 = arith.constant 0 : i32
      %dma_start3A_18 = tpu.memref_slice %arg10[%mul3A_12, %dma_start3A_17] : memref<10240x128xf32, #tpu.memory_space<vmem_shared>> -> memref<640x128xf32, #tpu.memory_space<vmem_shared>>
      tpu.enqueue_dma source(%dma_start3A_18 : memref<640x128xf32, #tpu.memory_space<vmem_shared>>) target(%dma_start3A_16 : memref<640x128xf32, #tpu.memory_space<hbm>>) target_semaphore(%run_scoped3A : memref<!tpu.dma_semaphore, #tpu.memory_space<semaphore_mem>>)
      %dma_wait3A = arith.constant 0 : i32
      %dma_wait3A_19 = tpu.memref_slice %arg6[%arg0, %mul3A_14, %dma_wait3A] : memref<2x10240x128xf32, #tpu.memory_space<hbm>> -> memref<1x640x128xf32, #tpu.memory_space<hbm>>
      %dma_wait3A_20 = tpu.memref_squeeze %dma_wait3A_19 : memref<1x640x128xf32, #tpu.memory_space<hbm>> -> memref<640x128xf32, #tpu.memory_space<hbm>>
      %dma_wait3A_21 = arith.constant 0 : i32
      %dma_wait3A_22 = tpu.memref_slice %arg10[%mul3A_12, %dma_wait3A_21] : memref<10240x128xf32, #tpu.memory_space<vmem_shared>> -> memref<640x128xf32, #tpu.memory_space<vmem_shared>>
      tpu.wait_dma2 semaphore(%run_scoped3A : memref<!tpu.dma_semaphore, #tpu.memory_space<semaphore_mem>>) src(%dma_wait3A_22 : memref<640x128xf32, #tpu.memory_space<vmem_shared>>) dst(%dma_wait3A_20 : memref<640x128xf32, #tpu.memory_space<hbm>>)
      tpu.yield
    }) : () -> ()
    return
  }
}

#map = affine_map<(d0, d1) -> (0)>
#map1 = affine_map<(d0, d1) -> (0, 0)>
module attributes {stable_mosaic.version = 14 : i64} {
  func.func @_sc_deg(%arg0: i32, %arg1: i32, %arg2: memref<320000xi32, #tpu.memory_space<hbm>>, %arg3: memref<640xf32, #tpu.memory_space<hbm>>, %arg4: memref<2x10240xf32, #tpu.memory_space<hbm>>, %arg5: memref<80xi32, #tpu.memory_space<vmem>>, %arg6: memref<80xf32, #tpu.memory_space<vmem>>, %arg7: memref<10240xf32, #tpu.memory_space<vmem_shared>>) attributes {dimension_semantics = [#tpu.dimension_semantics<core_parallel>, #tpu.dimension_semantics<subcore_parallel>], iteration_bounds = array<i64: 2, 16>, scalar_prefetch = 0 : i64, scratch_operands = 3 : i64, tpu.core_type = #tpu.core_type<sc_vector_subcore>, window_params = [{transform_indices = #map}, {transform_indices = #map}, {transform_indices = #map1}]} {
    %mul3A = arith.constant 640 : i32
    %mul3A_0 = arith.muli %arg1, %mul3A : i32
    "tpu.region"() ({
      %run_scoped3A = tpu.sem_alloc : memref<!tpu.dma_semaphore, #tpu.memory_space<semaphore_mem>>
      %dma_start3A = tpu.memref_slice %arg7[%mul3A_0] : memref<10240xf32, #tpu.memory_space<vmem_shared>> -> memref<640xf32, #tpu.memory_space<vmem_shared>>
      tpu.enqueue_dma source(%arg3 : memref<640xf32, #tpu.memory_space<hbm>>) target(%dma_start3A : memref<640xf32, #tpu.memory_space<vmem_shared>>) target_semaphore(%run_scoped3A : memref<!tpu.dma_semaphore, #tpu.memory_space<semaphore_mem>>)
      %dma_wait3A = tpu.memref_slice %arg7[%mul3A_0] : memref<10240xf32, #tpu.memory_space<vmem_shared>> -> memref<640xf32, #tpu.memory_space<vmem_shared>>
      tpu.wait_dma2 semaphore(%run_scoped3A : memref<!tpu.dma_semaphore, #tpu.memory_space<semaphore_mem>>) src(%arg3 : memref<640xf32, #tpu.memory_space<hbm>>) dst(%dma_wait3A : memref<640xf32, #tpu.memory_space<vmem_shared>>)
      tpu.yield
    }) : () -> ()
    %broadcast_in_dim3A = arith.constant 1.000000e+00 : f32
    %broadcast_in_dim3A_1 = vector.broadcast %broadcast_in_dim3A : f32 to vector<16xf32>
    %swap3A = arith.constant 0 : index
    %swap3A_2 = tpu.vector_load %arg6[%swap3A] {strides = array<i32>} : memref<80xf32, #tpu.memory_space<vmem>>, vector<16xf32>,
    %swap3A_3 = vector.shape_cast %swap3A_2 : vector<16xf32> to vector<16xf32>
    %swap3A_4 = vector.shape_cast %broadcast_in_dim3A_1 : vector<16xf32> to vector<16xf32>
    tpu.vector_store %arg6[%swap3A], %swap3A_4 {strides = array<i32>} : memref<80xf32, #tpu.memory_space<vmem>>, vector<16xf32>,
    %broadcast_in_dim3A_5 = arith.constant 1.000000e+00 : f32
    %broadcast_in_dim3A_6 = vector.broadcast %broadcast_in_dim3A_5 : f32 to vector<16xf32>
    %swap3A_7 = arith.constant 16 : index
    %swap3A_8 = tpu.vector_load %arg6[%swap3A_7] {strides = array<i32>} : memref<80xf32, #tpu.memory_space<vmem>>, vector<16xf32>,
    %swap3A_9 = vector.shape_cast %swap3A_8 : vector<16xf32> to vector<16xf32>
    %swap3A_10 = vector.shape_cast %broadcast_in_dim3A_6 : vector<16xf32> to vector<16xf32>
    tpu.vector_store %arg6[%swap3A_7], %swap3A_10 {strides = array<i32>} : memref<80xf32, #tpu.memory_space<vmem>>, vector<16xf32>,
    %broadcast_in_dim3A_11 = arith.constant 1.000000e+00 : f32
    %broadcast_in_dim3A_12 = vector.broadcast %broadcast_in_dim3A_11 : f32 to vector<16xf32>
    %swap3A_13 = arith.constant 32 : index
    %swap3A_14 = tpu.vector_load %arg6[%swap3A_13] {strides = array<i32>} : memref<80xf32, #tpu.memory_space<vmem>>, vector<16xf32>,
    %swap3A_15 = vector.shape_cast %swap3A_14 : vector<16xf32> to vector<16xf32>
    %swap3A_16 = vector.shape_cast %broadcast_in_dim3A_12 : vector<16xf32> to vector<16xf32>
    tpu.vector_store %arg6[%swap3A_13], %swap3A_16 {strides = array<i32>} : memref<80xf32, #tpu.memory_space<vmem>>, vector<16xf32>,
    %broadcast_in_dim3A_17 = arith.constant 1.000000e+00 : f32
    %broadcast_in_dim3A_18 = vector.broadcast %broadcast_in_dim3A_17 : f32 to vector<16xf32>
    %swap3A_19 = arith.constant 48 : index
    %swap3A_20 = tpu.vector_load %arg6[%swap3A_19] {strides = array<i32>} : memref<80xf32, #tpu.memory_space<vmem>>, vector<16xf32>,
    %swap3A_21 = vector.shape_cast %swap3A_20 : vector<16xf32> to vector<16xf32>
    %swap3A_22 = vector.shape_cast %broadcast_in_dim3A_18 : vector<16xf32> to vector<16xf32>
    tpu.vector_store %arg6[%swap3A_19], %swap3A_22 {strides = array<i32>} : memref<80xf32, #tpu.memory_space<vmem>>, vector<16xf32>,
    %broadcast_in_dim3A_23 = arith.constant 1.000000e+00 : f32
    %broadcast_in_dim3A_24 = vector.broadcast %broadcast_in_dim3A_23 : f32 to vector<16xf32>
    %swap3A_25 = arith.constant 64 : index
    %swap3A_26 = tpu.vector_load %arg6[%swap3A_25] {strides = array<i32>} : memref<80xf32, #tpu.memory_space<vmem>>, vector<16xf32>,
    %swap3A_27 = vector.shape_cast %swap3A_26 : vector<16xf32> to vector<16xf32>
    %swap3A_28 = vector.shape_cast %broadcast_in_dim3A_24 : vector<16xf32> to vector<16xf32>
    tpu.vector_store %arg6[%swap3A_25], %swap3A_28 {strides = array<i32>} : memref<80xf32, #tpu.memory_space<vmem>>, vector<16xf32>,
    %barrier3A = arith.constant 0 : index
    tpu.barrier barrier_id(%barrier3A)
    %mul3A_29 = arith.constant 16 : i32
    %mul3A_30 = arith.muli %arg0, %mul3A_29 : i32
    %add3A = arith.addi %mul3A_30, %arg1 : i32
    %mul3A_31 = arith.constant 10000 : i32
    %mul3A_32 = arith.muli %add3A, %mul3A_31 : i32
    %scan3A = arith.constant 0 : i32
    %scan3A_33 = arith.constant 0 : i32
    %scan3A_34 = arith.constant 125 : i32
    %scan3A_35 = arith.addi %scan3A_33, %scan3A_34 : i32
    %scan3A_36 = arith.constant 1 : i32
    scf.for %scan3A_43 = %scan3A_33 to %scan3A_35 step %scan3A_36  : i32 {
      %mul3A_44 = arith.constant 80 : i32
      %mul3A_45 = arith.muli %scan3A_43, %mul3A_44 : i32
      %add3A_46 = arith.addi %mul3A_32, %mul3A_45 : i32
      "tpu.region"() ({
        %run_scoped3A = tpu.sem_alloc : memref<!tpu.dma_semaphore, #tpu.memory_space<semaphore_mem>>
        %dma_start3A = tpu.memref_slice %arg2[%add3A_46] : memref<320000xi32, #tpu.memory_space<hbm>> -> memref<80xi32, #tpu.memory_space<hbm>>
        %dma_start3A_47 = tpu.memref_slice %arg2[%add3A_46] : memref<320000xi32, #tpu.memory_space<hbm>> -> memref<80xi32, #tpu.memory_space<hbm>>
        tpu.enqueue_dma source(%dma_start3A_47 : memref<80xi32, #tpu.memory_space<hbm>>) target(%arg5 : memref<80xi32, #tpu.memory_space<vmem>>) target_semaphore(%run_scoped3A : memref<!tpu.dma_semaphore, #tpu.memory_space<semaphore_mem>>)
        %dma_wait3A = tpu.memref_slice %arg2[%add3A_46] : memref<320000xi32, #tpu.memory_space<hbm>> -> memref<80xi32, #tpu.memory_space<hbm>>
        %dma_wait3A_48 = tpu.memref_slice %arg2[%add3A_46] : memref<320000xi32, #tpu.memory_space<hbm>> -> memref<80xi32, #tpu.memory_space<hbm>>
        tpu.wait_dma2 semaphore(%run_scoped3A : memref<!tpu.dma_semaphore, #tpu.memory_space<semaphore_mem>>) src(%dma_wait3A_48 : memref<80xi32, #tpu.memory_space<hbm>>) dst(%arg5 : memref<80xi32, #tpu.memory_space<vmem>>)
        tpu.yield
      }) : () -> ()
      "tpu.region"() ({
        %run_scoped3A = tpu.sem_alloc : memref<!tpu.dma_semaphore, #tpu.memory_space<semaphore_mem>>
        %dma_start3A = arith.constant 0 : i32
        %dma_start3A_47 = tpu.memref_slice %arg7[%dma_start3A] : memref<10240xf32, #tpu.memory_space<vmem_shared>> -> memref<10240xf32, #tpu.memory_space<vmem_shared>>
        tpu.enqueue_indirect_dma source(%arg6 : memref<80xf32, #tpu.memory_space<vmem>>) target(%dma_start3A_47 : memref<10240xf32, #tpu.memory_space<vmem_shared>>) offsets(%arg5 : memref<80xi32, #tpu.memory_space<vmem>>) semaphore(%run_scoped3A : memref<!tpu.dma_semaphore, #tpu.memory_space<semaphore_mem>>) {add = true}
        %dma_wait3A = arith.constant 0 : i32
        %dma_wait3A_48 = tpu.memref_slice %arg7[%dma_wait3A] : memref<10240xf32, #tpu.memory_space<vmem_shared>> -> memref<10240xf32, #tpu.memory_space<vmem_shared>>
        tpu.wait_indirect_dma semaphore(%run_scoped3A : memref<!tpu.dma_semaphore, #tpu.memory_space<semaphore_mem>>) src(%arg6 : memref<80xf32, #tpu.memory_space<vmem>>) dst(%dma_wait3A_48 : memref<10240xf32, #tpu.memory_space<vmem_shared>>)
        tpu.yield
      }) : () -> ()
    }
    %scan3A_37 = arith.constant 125 : i32
    %barrier3A_38 = arith.constant 0 : index
    tpu.barrier barrier_id(%barrier3A_38)
    %mul3A_39 = arith.constant 640 : i32
    %mul3A_40 = arith.muli %arg1, %mul3A_39 : i32
    %mul3A_41 = arith.constant 640 : i32
    %mul3A_42 = arith.muli %arg1, %mul3A_41 : i32
    "tpu.region"() ({
      %run_scoped3A = tpu.sem_alloc : memref<!tpu.dma_semaphore, #tpu.memory_space<semaphore_mem>>
      %dma_start3A = tpu.memref_slice %arg4[%arg0, %mul3A_42] : memref<2x10240xf32, #tpu.memory_space<hbm>> -> memref<1x640xf32, #tpu.memory_space<hbm>>
      %dma_start3A_43 = tpu.memref_squeeze %dma_start3A : memref<1x640xf32, #tpu.memory_space<hbm>> -> memref<640xf32, #tpu.memory_space<hbm>>
      %dma_start3A_44 = tpu.memref_slice %arg7[%mul3A_40] : memref<10240xf32, #tpu.memory_space<vmem_shared>> -> memref<640xf32, #tpu.memory_space<vmem_shared>>
      tpu.enqueue_dma source(%dma_start3A_44 : memref<640xf32, #tpu.memory_space<vmem_shared>>) target(%dma_start3A_43 : memref<640xf32, #tpu.memory_space<hbm>>) target_semaphore(%run_scoped3A : memref<!tpu.dma_semaphore, #tpu.memory_space<semaphore_mem>>)
      %dma_wait3A = tpu.memref_slice %arg4[%arg0, %mul3A_42] : memref<2x10240xf32, #tpu.memory_space<hbm>> -> memref<1x640xf32, #tpu.memory_space<hbm>>
      %dma_wait3A_45 = tpu.memref_squeeze %dma_wait3A : memref<1x640xf32, #tpu.memory_space<hbm>> -> memref<640xf32, #tpu.memory_space<hbm>>
      %dma_wait3A_46 = tpu.memref_slice %arg7[%mul3A_40] : memref<10240xf32, #tpu.memory_space<vmem_shared>> -> memref<640xf32, #tpu.memory_space<vmem_shared>>
      tpu.wait_dma2 semaphore(%run_scoped3A : memref<!tpu.dma_semaphore, #tpu.memory_space<semaphore_mem>>) src(%dma_wait3A_46 : memref<640xf32, #tpu.memory_space<vmem_shared>>) dst(%dma_wait3A_45 : memref<640xf32, #tpu.memory_space<hbm>>)
      tpu.yield
    }) : () -> ()
    return
  }
}

#map = affine_map<(d0, d1) -> (0)>
#map1 = affine_map<(d0, d1) -> (0, 0)>
#map2 = affine_map<(d0, d1) -> (0, 0, 0)>
module attributes {stable_mosaic.version = 14 : i64} {
  func.func @_sc_msg(%arg0: i32, %arg1: i32, %arg2: memref<320000xi32, #tpu.memory_space<hbm>>, %arg3: memref<320000xi32, #tpu.memory_space<hbm>>, %arg4: memref<10000x128xf32, #tpu.memory_space<hbm>>, %arg5: memref<640x128xf32, #tpu.memory_space<hbm>>, %arg6: memref<2x10240x128xf32, #tpu.memory_space<hbm>>, %arg7: memref<80xi32, #tpu.memory_space<vmem>>, %arg8: memref<80xi32, #tpu.memory_space<vmem>>, %arg9: memref<80x128xf32, #tpu.memory_space<vmem>>, %arg10: memref<10240x128xf32, #tpu.memory_space<vmem_shared>>, %arg11: memref<!tpu.dma_semaphore, #tpu.memory_space<semaphore_mem>>) attributes {dimension_semantics = [#tpu.dimension_semantics<core_parallel>, #tpu.dimension_semantics<subcore_parallel>], iteration_bounds = array<i64: 2, 16>, scalar_prefetch = 0 : i64, scratch_operands = 5 : i64, tpu.core_type = #tpu.core_type<sc_vector_subcore>, window_params = [{transform_indices = #map}, {transform_indices = #map}, {transform_indices = #map1}, {transform_indices = #map1}, {transform_indices = #map2}]} {
    %mul3A = arith.constant 640 : i32
    %mul3A_0 = arith.muli %arg1, %mul3A : i32
    "tpu.region"() ({
      %run_scoped3A = tpu.sem_alloc : memref<!tpu.dma_semaphore, #tpu.memory_space<semaphore_mem>>
      %dma_start3A = arith.constant 0 : i32
      %dma_start3A_15 = tpu.memref_slice %arg10[%mul3A_0, %dma_start3A] : memref<10240x128xf32, #tpu.memory_space<vmem_shared>> -> memref<640x128xf32, #tpu.memory_space<vmem_shared>>
      tpu.enqueue_dma source(%arg5 : memref<640x128xf32, #tpu.memory_space<hbm>>) target(%dma_start3A_15 : memref<640x128xf32, #tpu.memory_space<vmem_shared>>) target_semaphore(%run_scoped3A : memref<!tpu.dma_semaphore, #tpu.memory_space<semaphore_mem>>)
      %dma_wait3A = arith.constant 0 : i32
      %dma_wait3A_16 = tpu.memref_slice %arg10[%mul3A_0, %dma_wait3A] : memref<10240x128xf32, #tpu.memory_space<vmem_shared>> -> memref<640x128xf32, #tpu.memory_space<vmem_shared>>
      tpu.wait_dma2 semaphore(%run_scoped3A : memref<!tpu.dma_semaphore, #tpu.memory_space<semaphore_mem>>) src(%arg5 : memref<640x128xf32, #tpu.memory_space<hbm>>) dst(%dma_wait3A_16 : memref<640x128xf32, #tpu.memory_space<vmem_shared>>)
      tpu.yield
    }) : () -> ()
    %barrier3A = arith.constant 0 : index
    tpu.barrier barrier_id(%barrier3A)
    %mul3A_1 = arith.constant 16 : i32
    %mul3A_2 = arith.muli %arg0, %mul3A_1 : i32
    %add3A = arith.addi %mul3A_2, %arg1 : i32
    %mul3A_3 = arith.constant 10000 : i32
    %mul3A_4 = arith.muli %add3A, %mul3A_3 : i32
    %scan3A = arith.constant 0 : i32
    %scan3A_5 = arith.constant 0 : i32
    %scan3A_6 = arith.constant 125 : i32
    %scan3A_7 = arith.addi %scan3A_5, %scan3A_6 : i32
    %scan3A_8 = arith.constant 1 : i32
    scf.for %scan3A_15 = %scan3A_5 to %scan3A_7 step %scan3A_8  : i32 {
      %mul3A_16 = arith.constant 80 : i32
      %mul3A_17 = arith.muli %scan3A_15, %mul3A_16 : i32
      %add3A_18 = arith.addi %mul3A_4, %mul3A_17 : i32
      "tpu.region"() ({
        %run_scoped3A = tpu.sem_alloc : memref<!tpu.dma_semaphore, #tpu.memory_space<semaphore_mem>>
        %dma_start3A_23 = tpu.memref_slice %arg2[%add3A_18] : memref<320000xi32, #tpu.memory_space<hbm>> -> memref<80xi32, #tpu.memory_space<hbm>>
        %dma_start3A_24 = tpu.memref_slice %arg2[%add3A_18] : memref<320000xi32, #tpu.memory_space<hbm>> -> memref<80xi32, #tpu.memory_space<hbm>>
        tpu.enqueue_dma source(%dma_start3A_24 : memref<80xi32, #tpu.memory_space<hbm>>) target(%arg7 : memref<80xi32, #tpu.memory_space<vmem>>) target_semaphore(%run_scoped3A : memref<!tpu.dma_semaphore, #tpu.memory_space<semaphore_mem>>)
        %dma_wait3A_25 = tpu.memref_slice %arg2[%add3A_18] : memref<320000xi32, #tpu.memory_space<hbm>> -> memref<80xi32, #tpu.memory_space<hbm>>
        %dma_wait3A_26 = tpu.memref_slice %arg2[%add3A_18] : memref<320000xi32, #tpu.memory_space<hbm>> -> memref<80xi32, #tpu.memory_space<hbm>>
        tpu.wait_dma2 semaphore(%run_scoped3A : memref<!tpu.dma_semaphore, #tpu.memory_space<semaphore_mem>>) src(%dma_wait3A_26 : memref<80xi32, #tpu.memory_space<hbm>>) dst(%arg7 : memref<80xi32, #tpu.memory_space<vmem>>)
        tpu.yield
      }) : () -> ()
      "tpu.region"() ({
        %run_scoped3A = tpu.sem_alloc : memref<!tpu.dma_semaphore, #tpu.memory_space<semaphore_mem>>
        %dma_start3A_23 = tpu.memref_slice %arg3[%add3A_18] : memref<320000xi32, #tpu.memory_space<hbm>> -> memref<80xi32, #tpu.memory_space<hbm>>
        %dma_start3A_24 = tpu.memref_slice %arg3[%add3A_18] : memref<320000xi32, #tpu.memory_space<hbm>> -> memref<80xi32, #tpu.memory_space<hbm>>
        tpu.enqueue_dma source(%dma_start3A_24 : memref<80xi32, #tpu.memory_space<hbm>>) target(%arg8 : memref<80xi32, #tpu.memory_space<vmem>>) target_semaphore(%run_scoped3A : memref<!tpu.dma_semaphore, #tpu.memory_space<semaphore_mem>>)
        %dma_wait3A_25 = tpu.memref_slice %arg3[%add3A_18] : memref<320000xi32, #tpu.memory_space<hbm>> -> memref<80xi32, #tpu.memory_space<hbm>>
        %dma_wait3A_26 = tpu.memref_slice %arg3[%add3A_18] : memref<320000xi32, #tpu.memory_space<hbm>> -> memref<80xi32, #tpu.memory_space<hbm>>
        tpu.wait_dma2 semaphore(%run_scoped3A : memref<!tpu.dma_semaphore, #tpu.memory_space<semaphore_mem>>) src(%dma_wait3A_26 : memref<80xi32, #tpu.memory_space<hbm>>) dst(%arg8 : memref<80xi32, #tpu.memory_space<vmem>>)
        tpu.yield
      }) : () -> ()
      %dma_start3A = arith.constant 0 : i32
      %dma_start3A_19 = arith.constant 0 : i32
      %dma_start3A_20 = tpu.memref_slice %arg4[%dma_start3A, %dma_start3A_19] : memref<10000x128xf32, #tpu.memory_space<hbm>> -> memref<10000x128xf32, #tpu.memory_space<hbm>>
      tpu.enqueue_indirect_dma source(%dma_start3A_20 : memref<10000x128xf32, #tpu.memory_space<hbm>>) target(%arg9 : memref<80x128xf32, #tpu.memory_space<vmem>>) offsets(%arg7 : memref<80xi32, #tpu.memory_space<vmem>>) semaphore(%arg11 : memref<!tpu.dma_semaphore, #tpu.memory_space<semaphore_mem>>)
      %dma_wait3A = arith.constant 0 : i32
      %dma_wait3A_21 = arith.constant 0 : i32
      %dma_wait3A_22 = tpu.memref_slice %arg4[%dma_wait3A, %dma_wait3A_21] : memref<10000x128xf32, #tpu.memory_space<hbm>> -> memref<10000x128xf32, #tpu.memory_space<hbm>>
      tpu.wait_indirect_dma semaphore(%arg11 : memref<!tpu.dma_semaphore, #tpu.memory_space<semaphore_mem>>) src(%dma_wait3A_22 : memref<10000x128xf32, #tpu.memory_space<hbm>>) dst(%arg9 : memref<80x128xf32, #tpu.memory_space<vmem>>)
      "tpu.region"() ({
        %run_scoped3A = tpu.sem_alloc : memref<!tpu.dma_semaphore, #tpu.memory_space<semaphore_mem>>
        %dma_start3A_23 = arith.constant 0 : i32
        %dma_start3A_24 = arith.constant 0 : i32
        %dma_start3A_25 = tpu.memref_slice %arg10[%dma_start3A_23, %dma_start3A_24] : memref<10240x128xf32, #tpu.memory_space<vmem_shared>> -> memref<10240x128xf32, #tpu.memory_space<vmem_shared>>
        tpu.enqueue_indirect_dma source(%arg9 : memref<80x128xf32, #tpu.memory_space<vmem>>) target(%dma_start3A_25 : memref<10240x128xf32, #tpu.memory_space<vmem_shared>>) offsets(%arg8 : memref<80xi32, #tpu.memory_space<vmem>>) semaphore(%run_scoped3A : memref<!tpu.dma_semaphore, #tpu.memory_space<semaphore_mem>>) {add = true}
        %dma_wait3A_26 = arith.constant 0 : i32
        %dma_wait3A_27 = arith.constant 0 : i32
        %dma_wait3A_28 = tpu.memref_slice %arg10[%dma_wait3A_26, %dma_wait3A_27] : memref<10240x128xf32, #tpu.memory_space<vmem_shared>> -> memref<10240x128xf32, #tpu.memory_space<vmem_shared>>
        tpu.wait_indirect_dma semaphore(%run_scoped3A : memref<!tpu.dma_semaphore, #tpu.memory_space<semaphore_mem>>) src(%arg9 : memref<80x128xf32, #tpu.memory_space<vmem>>) dst(%dma_wait3A_28 : memref<10240x128xf32, #tpu.memory_space<vmem_shared>>)
        tpu.yield
      }) : () -> ()
    }
    %scan3A_9 = arith.constant 125 : i32
    %barrier3A_10 = arith.constant 0 : index
    tpu.barrier barrier_id(%barrier3A_10)
    %mul3A_11 = arith.constant 640 : i32
    %mul3A_12 = arith.muli %arg1, %mul3A_11 : i32
    %mul3A_13 = arith.constant 640 : i32
    %mul3A_14 = arith.muli %arg1, %mul3A_13 : i32
    "tpu.region"() ({
      %run_scoped3A = tpu.sem_alloc : memref<!tpu.dma_semaphore, #tpu.memory_space<semaphore_mem>>
      %dma_start3A = arith.constant 0 : i32
      %dma_start3A_15 = tpu.memref_slice %arg6[%arg0, %mul3A_14, %dma_start3A] : memref<2x10240x128xf32, #tpu.memory_space<hbm>> -> memref<1x640x128xf32, #tpu.memory_space<hbm>>
      %dma_start3A_16 = tpu.memref_squeeze %dma_start3A_15 : memref<1x640x128xf32, #tpu.memory_space<hbm>> -> memref<640x128xf32, #tpu.memory_space<hbm>>
      %dma_start3A_17 = arith.constant 0 : i32
      %dma_start3A_18 = tpu.memref_slice %arg10[%mul3A_12, %dma_start3A_17] : memref<10240x128xf32, #tpu.memory_space<vmem_shared>> -> memref<640x128xf32, #tpu.memory_space<vmem_shared>>
      tpu.enqueue_dma source(%dma_start3A_18 : memref<640x128xf32, #tpu.memory_space<vmem_shared>>) target(%dma_start3A_16 : memref<640x128xf32, #tpu.memory_space<hbm>>) target_semaphore(%run_scoped3A : memref<!tpu.dma_semaphore, #tpu.memory_space<semaphore_mem>>)
      %dma_wait3A = arith.constant 0 : i32
      %dma_wait3A_19 = tpu.memref_slice %arg6[%arg0, %mul3A_14, %dma_wait3A] : memref<2x10240x128xf32, #tpu.memory_space<hbm>> -> memref<1x640x128xf32, #tpu.memory_space<hbm>>
      %dma_wait3A_20 = tpu.memref_squeeze %dma_wait3A_19 : memref<1x640x128xf32, #tpu.memory_space<hbm>> -> memref<640x128xf32, #tpu.memory_space<hbm>>
      %dma_wait3A_21 = arith.constant 0 : i32
      %dma_wait3A_22 = tpu.memref_slice %arg10[%mul3A_12, %dma_wait3A_21] : memref<10240x128xf32, #tpu.memory_space<vmem_shared>> -> memref<640x128xf32, #tpu.memory_space<vmem_shared>>
      tpu.wait_dma2 semaphore(%run_scoped3A : memref<!tpu.dma_semaphore, #tpu.memory_space<semaphore_mem>>) src(%dma_wait3A_22 : memref<640x128xf32, #tpu.memory_space<vmem_shared>>) dst(%dma_wait3A_20 : memref<640x128xf32, #tpu.memory_space<hbm>>)
      tpu.yield
    }) : () -> ()
    return
  }
}

module attributes {stable_mosaic.version = 14 : i64} {
  func.func @_k1_body(%arg0: i32, %arg1: memref<1000x128xf32, #tpu.memory_space<vmem>>, %arg2: memref<128x128xf32, #tpu.memory_space<vmem>>, %arg3: memref<1000x1xf32, #tpu.memory_space<vmem>>, %arg4: memref<1000x1xf32, #tpu.memory_space<vmem>>, %arg5: memref<1000x128xf32, #tpu.memory_space<vmem>>) attributes {dimension_semantics = [#tpu.dimension_semantics<arbitrary>], iteration_bounds = array<i64: 10>, scalar_prefetch = 0 : i64, scratch_operands = 0 : i64, tpu.core_type = #tpu.core_type<tc>, window_params = [{transform_indices = @transform_0, window_bounds = array<i64: 1000, 128>}, {pipeline_mode = #tpu.pipeline_mode<synchronous>, transform_indices = @transform_1, window_bounds = array<i64: 128, 128>}, {transform_indices = @transform_2, window_bounds = array<i64: 1000, 1>}, {transform_indices = @transform_3, window_bounds = array<i64: 1000, 1>}, {transform_indices = @transform_4, window_bounds = array<i64: 1000, 128>}]} {
    %get3A = arith.constant 0 : index
    %get3A_0 = arith.constant 0 : index
    %get3A_1 = vector.load %arg3[%get3A, %get3A_0] : memref<1000x1xf32, #tpu.memory_space<vmem>>, vector<1000x1xf32>
    %get3A_2 = arith.constant 0 : index
    %get3A_3 = arith.constant 0 : index
    %get3A_4 = vector.load %arg4[%get3A_2, %get3A_3] : memref<1000x1xf32, #tpu.memory_space<vmem>>, vector<1000x1xf32>
    %add3A = arith.addf %get3A_1, %get3A_4 : vector<1000x1xf32>
    %add3A_5 = arith.constant 1.000000e+00 : f32
    %add3A_6 = vector.broadcast %add3A_5 : f32 to vector<1000x1xf32>
    %add3A_7 = arith.addf %add3A, %add3A_6 : vector<1000x1xf32>
    %rsqrt3A = math.rsqrt %add3A_7 : vector<1000x1xf32>
    %get3A_8 = arith.constant 0 : index
    %get3A_9 = arith.constant 0 : index
    %get3A_10 = vector.load %arg1[%get3A_8, %get3A_9] : memref<1000x128xf32, #tpu.memory_space<vmem>>, vector<1000x128xf32>
    %get3A_11 = arith.constant 0 : index
    %get3A_12 = arith.constant 0 : index
    %get3A_13 = vector.load %arg2[%get3A_11, %get3A_12] : memref<128x128xf32, #tpu.memory_space<vmem>>, vector<128x128xf32>
    %dot_general3A = arith.constant dense<0.000000e+00> : vector<1000x128xf32>
    %dot_general3A_14 = tpu.matmul %get3A_10, %get3A_13, %dot_general3A {dimension_numbers = #tpu.dot_dimension_numbers<[1], [0], [0], [1], [0, 0, 1, 1], [], []>, transpose_lhs_hint = false} : vector<1000x128xf32>, vector<128x128xf32>, vector<1000x128xf32> -> vector<1000x128xf32>
    %mul3A = vector.broadcast %rsqrt3A : vector<1000x1xf32> to vector<1000x128xf32>
    %mul3A_15 = arith.mulf %dot_general3A_14, %mul3A : vector<1000x128xf32>
    %swap3A = arith.constant 0 : index
    %swap3A_16 = arith.constant 0 : index
    %swap3A_17 = vector.load %arg5[%swap3A, %swap3A_16] : memref<1000x128xf32, #tpu.memory_space<vmem>>, vector<1000x128xf32>
    tpu.vector_store %arg5[%swap3A, %swap3A_16], %mul3A_15 {strides = array<i32>} : memref<1000x128xf32, #tpu.memory_space<vmem>>, vector<1000x128xf32>,
    return
  }
  func.func @transform_0(%arg0: i32) -> (i32, i32) {
    %c0_i32 = arith.constant 0 : i32
    %c0_i32_0 = arith.constant 0 : i32
    return %arg0, %c0_i32 : i32, i32
  }
  func.func @transform_1(%arg0: i32) -> (i32, i32) {
    %c0_i32 = arith.constant 0 : i32
    %c0_i32_0 = arith.constant 0 : i32
    %c0_i32_1 = arith.constant 0 : i32
    return %c0_i32, %c0_i32_0 : i32, i32
  }
  func.func @transform_2(%arg0: i32) -> (i32, i32) {
    %c0_i32 = arith.constant 0 : i32
    %c0_i32_0 = arith.constant 0 : i32
    return %arg0, %c0_i32 : i32, i32
  }
  func.func @transform_3(%arg0: i32) -> (i32, i32) {
    %c0_i32 = arith.constant 0 : i32
    %c0_i32_0 = arith.constant 0 : i32
    return %arg0, %c0_i32 : i32, i32
  }
  func.func @transform_4(%arg0: i32) -> (i32, i32) {
    %c0_i32 = arith.constant 0 : i32
    %c0_i32_0 = arith.constant 0 : i32
    return %arg0, %c0_i32 : i32, i32
  }
}

module attributes {stable_mosaic.version = 14 : i64} {
  func.func @_k2_body(%arg0: i32, %arg1: memref<1000x128xf32, #tpu.memory_space<vmem>>, %arg2: memref<1000x128xf32, #tpu.memory_space<vmem>>, %arg3: memref<1000x128xf32, #tpu.memory_space<vmem>>, %arg4: memref<1000x1xf32, #tpu.memory_space<vmem>>, %arg5: memref<1000x1xf32, #tpu.memory_space<vmem>>, %arg6: memref<1x128xf32, #tpu.memory_space<vmem>>, %arg7: memref<1000x128xf32, #tpu.memory_space<vmem>>, %arg8: memref<8x128xf32, #tpu.memory_space<vmem>>) attributes {dimension_semantics = [#tpu.dimension_semantics<arbitrary>], iteration_bounds = array<i64: 10>, scalar_prefetch = 0 : i64, scratch_operands = 0 : i64, tpu.core_type = #tpu.core_type<tc>, window_params = [{transform_indices = @transform_0, window_bounds = array<i64: 1000, 128>}, {transform_indices = @transform_1, window_bounds = array<i64: 1000, 128>}, {transform_indices = @transform_2, window_bounds = array<i64: 1000, 128>}, {transform_indices = @transform_3, window_bounds = array<i64: 1000, 1>}, {transform_indices = @transform_4, window_bounds = array<i64: 1000, 1>}, {pipeline_mode = #tpu.pipeline_mode<synchronous>, transform_indices = @transform_5, window_bounds = array<i64: 1, 128>}, {transform_indices = @transform_6, window_bounds = array<i64: 1000, 128>}, {pipeline_mode = #tpu.pipeline_mode<synchronous>, transform_indices = @transform_7, window_bounds = array<i64: 8, 128>}]} {
    %get3A = arith.constant 0 : index
    %get3A_0 = arith.constant 0 : index
    %get3A_1 = vector.load %arg4[%get3A, %get3A_0] : memref<1000x1xf32, #tpu.memory_space<vmem>>, vector<1000x1xf32>
    %get3A_2 = arith.constant 0 : index
    %get3A_3 = arith.constant 0 : index
    %get3A_4 = vector.load %arg5[%get3A_2, %get3A_3] : memref<1000x1xf32, #tpu.memory_space<vmem>>, vector<1000x1xf32>
    %add3A = arith.addf %get3A_1, %get3A_4 : vector<1000x1xf32>
    %add3A_5 = arith.constant 1.000000e+00 : f32
    %add3A_6 = vector.broadcast %add3A_5 : f32 to vector<1000x1xf32>
    %add3A_7 = arith.addf %add3A, %add3A_6 : vector<1000x1xf32>
    %rsqrt3A = math.rsqrt %add3A_7 : vector<1000x1xf32>
    %get3A_8 = arith.constant 0 : index
    %get3A_9 = arith.constant 0 : index
    %get3A_10 = vector.load %arg1[%get3A_8, %get3A_9] : memref<1000x128xf32, #tpu.memory_space<vmem>>, vector<1000x128xf32>
    %get3A_11 = arith.constant 0 : index
    %get3A_12 = arith.constant 0 : index
    %get3A_13 = vector.load %arg2[%get3A_11, %get3A_12] : memref<1000x128xf32, #tpu.memory_space<vmem>>, vector<1000x128xf32>
    %add3A_14 = arith.addf %get3A_10, %get3A_13 : vector<1000x128xf32>
    %get3A_15 = arith.constant 0 : index
    %get3A_16 = arith.constant 0 : index
    %get3A_17 = vector.load %arg3[%get3A_15, %get3A_16] : memref<1000x128xf32, #tpu.memory_space<vmem>>, vector<1000x128xf32>
    %add3A_18 = arith.addf %add3A_14, %get3A_17 : vector<1000x128xf32>
    %mul3A = vector.broadcast %rsqrt3A : vector<1000x1xf32> to vector<1000x128xf32>
    %mul3A_19 = arith.mulf %mul3A, %add3A_18 : vector<1000x128xf32>
    %get3A_20 = arith.constant 0 : index
    %get3A_21 = arith.constant 0 : index
    %get3A_22 = vector.load %arg6[%get3A_20, %get3A_21] : memref<1x128xf32, #tpu.memory_space<vmem>>, vector<1x128xf32>
    %add3A_23 = vector.broadcast %get3A_22 : vector<1x128xf32> to vector<1000x128xf32>
    %add3A_24 = arith.addf %mul3A_19, %add3A_23 : vector<1000x128xf32>
    %swap3A = arith.constant 0 : index
    %swap3A_25 = arith.constant 0 : index
    %swap3A_26 = vector.load %arg7[%swap3A, %swap3A_25] : memref<1000x128xf32, #tpu.memory_space<vmem>>, vector<1000x128xf32>
    tpu.vector_store %arg7[%swap3A, %swap3A_25], %add3A_24 {strides = array<i32>} : memref<1000x128xf32, #tpu.memory_space<vmem>>, vector<1000x128xf32>,
    %reduce_sum3A = arith.constant dense<0.000000e+00> : vector<128xf32>
    %reduce_sum3A_27 = vector.multi_reduction <add>, %add3A_24, %reduce_sum3A [0] : vector<1000x128xf32> to vector<128xf32>
    %broadcast_in_dim3A = vector.shape_cast %reduce_sum3A_27 : vector<128xf32> to vector<1x128xf32>
    %mul3A_28 = arith.mulf %add3A_24, %add3A_24 : vector<1000x128xf32>
    %reduce_sum3A_29 = arith.constant dense<0.000000e+00> : vector<128xf32>
    %reduce_sum3A_30 = vector.multi_reduction <add>, %mul3A_28, %reduce_sum3A_29 [0] : vector<1000x128xf32> to vector<128xf32>
    %broadcast_in_dim3A_31 = vector.shape_cast %reduce_sum3A_30 : vector<128xf32> to vector<1x128xf32>
    %broadcast_in_dim3A_32 = arith.constant 0.000000e+00 : f32
    %broadcast_in_dim3A_33 = vector.broadcast %broadcast_in_dim3A_32 : f32 to vector<6x128xf32>
    %concatenate3A = tpu.concatenate %broadcast_in_dim3A, %broadcast_in_dim3A_31, %broadcast_in_dim3A_33 in 0 : vector<1x128xf32>, vector<1x128xf32>, vector<6x128xf32> -> vector<8x128xf32>
    %eq3A = arith.constant 0 : i32
    %eq3A_34 = arith.cmpi eq, %arg0, %eq3A : i32
    %convert_element_type3A = arith.extui %eq3A_34 : i1 to i32
    %cond3A = arith.constant 0 : i32
    %cond3A_35 = arith.cmpi ne, %convert_element_type3A, %cond3A : i32
    scf.if %cond3A_35 {
      %swap3A_40 = arith.constant 0 : index
      %swap3A_41 = arith.constant 0 : index
      %swap3A_42 = vector.load %arg8[%swap3A_40, %swap3A_41] : memref<8x128xf32, #tpu.memory_space<vmem>>, vector<8x128xf32>
      tpu.vector_store %arg8[%swap3A_40, %swap3A_41], %concatenate3A {strides = array<i32>} : memref<8x128xf32, #tpu.memory_space<vmem>>, vector<8x128xf32>,
    } else {
    }
    %gt3A = arith.constant 0 : i32
    %gt3A_36 = arith.cmpi sgt, %arg0, %gt3A : i32
    %convert_element_type3A_37 = arith.extui %gt3A_36 : i1 to i32
    %cond3A_38 = arith.constant 0 : i32
    %cond3A_39 = arith.cmpi ne, %convert_element_type3A_37, %cond3A_38 : i32
    scf.if %cond3A_39 {
      %get3A_40 = arith.constant 0 : index
      %get3A_41 = arith.constant 0 : index
      %get3A_42 = vector.load %arg8[%get3A_40, %get3A_41] : memref<8x128xf32, #tpu.memory_space<vmem>>, vector<8x128xf32>
      %add3A_43 = arith.addf %get3A_42, %concatenate3A : vector<8x128xf32>
      %swap3A_44 = arith.constant 0 : index
      %swap3A_45 = arith.constant 0 : index
      %swap3A_46 = vector.load %arg8[%swap3A_44, %swap3A_45] : memref<8x128xf32, #tpu.memory_space<vmem>>, vector<8x128xf32>
      tpu.vector_store %arg8[%swap3A_44, %swap3A_45], %add3A_43 {strides = array<i32>} : memref<8x128xf32, #tpu.memory_space<vmem>>, vector<8x128xf32>,
    } else {
    }
    return
  }
  func.func @transform_0(%arg0: i32) -> (i32, i32) {
    %c0_i32 = arith.constant 0 : i32
    %c0_i32_0 = arith.constant 0 : i32
    return %arg0, %c0_i32 : i32, i32
  }
  func.func @transform_1(%arg0: i32) -> (i32, i32) {
    %c0_i32 = arith.constant 0 : i32
    %c0_i32_0 = arith.constant 0 : i32
    return %arg0, %c0_i32 : i32, i32
  }
  func.func @transform_2(%arg0: i32) -> (i32, i32) {
    %c0_i32 = arith.constant 0 : i32
    %c0_i32_0 = arith.constant 0 : i32
    return %arg0, %c0_i32 : i32, i32
  }
  func.func @transform_3(%arg0: i32) -> (i32, i32) {
    %c0_i32 = arith.constant 0 : i32
    %c0_i32_0 = arith.constant 0 : i32
    return %arg0, %c0_i32 : i32, i32
  }
  func.func @transform_4(%arg0: i32) -> (i32, i32) {
    %c0_i32 = arith.constant 0 : i32
    %c0_i32_0 = arith.constant 0 : i32
    return %arg0, %c0_i32 : i32, i32
  }
  func.func @transform_5(%arg0: i32) -> (i32, i32) {
    %c0_i32 = arith.constant 0 : i32
    %c0_i32_0 = arith.constant 0 : i32
    %c0_i32_1 = arith.constant 0 : i32
    return %c0_i32, %c0_i32_0 : i32, i32
  }
  func.func @transform_6(%arg0: i32) -> (i32, i32) {
    %c0_i32 = arith.constant 0 : i32
    %c0_i32_0 = arith.constant 0 : i32
    return %arg0, %c0_i32 : i32, i32
  }
  func.func @transform_7(%arg0: i32) -> (i32, i32) {
    %c0_i32 = arith.constant 0 : i32
    %c0_i32_0 = arith.constant 0 : i32
    %c0_i32_1 = arith.constant 0 : i32
    return %c0_i32, %c0_i32_0 : i32, i32
  }
}

module attributes {stable_mosaic.version = 14 : i64} {
  func.func @_k3_body(%arg0: i32, %arg1: memref<1000x128xf32, #tpu.memory_space<vmem>>, %arg2: memref<8x128xf32, #tpu.memory_space<vmem>>, %arg3: memref<1x128xf32, #tpu.memory_space<vmem>>, %arg4: memref<1x128xf32, #tpu.memory_space<vmem>>, %arg5: memref<1000x1xf32, #tpu.memory_space<vmem>>, %arg6: memref<1000x1xf32, #tpu.memory_space<vmem>>, %arg7: memref<128x128xf32, #tpu.memory_space<vmem>>, %arg8: memref<1000x128xf32, #tpu.memory_space<vmem>>) attributes {dimension_semantics = [#tpu.dimension_semantics<arbitrary>], iteration_bounds = array<i64: 10>, scalar_prefetch = 0 : i64, scratch_operands = 0 : i64, tpu.core_type = #tpu.core_type<tc>, window_params = [{transform_indices = @transform_0, window_bounds = array<i64: 1000, 128>}, {pipeline_mode = #tpu.pipeline_mode<synchronous>, transform_indices = @transform_1, window_bounds = array<i64: 8, 128>}, {pipeline_mode = #tpu.pipeline_mode<synchronous>, transform_indices = @transform_2, window_bounds = array<i64: 1, 128>}, {pipeline_mode = #tpu.pipeline_mode<synchronous>, transform_indices = @transform_3, window_bounds = array<i64: 1, 128>}, {transform_indices = @transform_4, window_bounds = array<i64: 1000, 1>}, {transform_indices = @transform_5, window_bounds = array<i64: 1000, 1>}, {pipeline_mode = #tpu.pipeline_mode<synchronous>, transform_indices = @transform_6, window_bounds = array<i64: 128, 128>}, {transform_indices = @transform_7, window_bounds = array<i64: 1000, 128>}]} {
    %get3A = arith.constant 0 : index
    %get3A_0 = arith.constant 0 : index
    %get3A_1 = vector.load %arg2[%get3A, %get3A_0] : memref<8x128xf32, #tpu.memory_space<vmem>>, vector<1x128xf32>
    %mul3A = arith.constant 9.99999974E-5 : f32
    %mul3A_2 = vector.broadcast %mul3A : f32 to vector<1x128xf32>
    %mul3A_3 = arith.mulf %get3A_1, %mul3A_2 : vector<1x128xf32>
    %get3A_4 = arith.constant 1 : index
    %get3A_5 = arith.constant 0 : index
    %get3A_6 = vector.load %arg2[%get3A_4, %get3A_5] : memref<8x128xf32, #tpu.memory_space<vmem>>, vector<1x128xf32>
    %mul3A_7 = arith.constant 9.99999974E-5 : f32
    %mul3A_8 = vector.broadcast %mul3A_7 : f32 to vector<1x128xf32>
    %mul3A_9 = arith.mulf %get3A_6, %mul3A_8 : vector<1x128xf32>
    %mul3A_10 = arith.mulf %mul3A_3, %mul3A_3 : vector<1x128xf32>
    %sub3A = arith.subf %mul3A_9, %mul3A_10 : vector<1x128xf32>
    %add3A = arith.constant 9.99999974E-6 : f32
    %add3A_11 = vector.broadcast %add3A : f32 to vector<1x128xf32>
    %add3A_12 = arith.addf %sub3A, %add3A_11 : vector<1x128xf32>
    %rsqrt3A = math.rsqrt %add3A_12 : vector<1x128xf32>
    %get3A_13 = arith.constant 0 : index
    %get3A_14 = arith.constant 0 : index
    %get3A_15 = vector.load %arg1[%get3A_13, %get3A_14] : memref<1000x128xf32, #tpu.memory_space<vmem>>, vector<1000x128xf32>
    %sub3A_16 = vector.broadcast %mul3A_3 : vector<1x128xf32> to vector<1000x128xf32>
    %sub3A_17 = arith.subf %get3A_15, %sub3A_16 : vector<1000x128xf32>
    %mul3A_18 = vector.broadcast %rsqrt3A : vector<1x128xf32> to vector<1000x128xf32>
    %mul3A_19 = arith.mulf %sub3A_17, %mul3A_18 : vector<1000x128xf32>
    %get3A_20 = arith.constant 0 : index
    %get3A_21 = arith.constant 0 : index
    %get3A_22 = vector.load %arg3[%get3A_20, %get3A_21] : memref<1x128xf32, #tpu.memory_space<vmem>>, vector<1x128xf32>
    %mul3A_23 = vector.broadcast %get3A_22 : vector<1x128xf32> to vector<1000x128xf32>
    %mul3A_24 = arith.mulf %mul3A_19, %mul3A_23 : vector<1000x128xf32>
    %get3A_25 = arith.constant 0 : index
    %get3A_26 = arith.constant 0 : index
    %get3A_27 = vector.load %arg4[%get3A_25, %get3A_26] : memref<1x128xf32, #tpu.memory_space<vmem>>, vector<1x128xf32>
    %add3A_28 = vector.broadcast %get3A_27 : vector<1x128xf32> to vector<1000x128xf32>
    %add3A_29 = arith.addf %mul3A_24, %add3A_28 : vector<1000x128xf32>
    %max3A = arith.constant 0.000000e+00 : f32
    %max3A_30 = vector.broadcast %max3A : f32 to vector<1000x128xf32>
    %max3A_31 = arith.maximumf %add3A_29, %max3A_30 : vector<1000x128xf32>
    %get3A_32 = arith.constant 0 : index
    %get3A_33 = arith.constant 0 : index
    %get3A_34 = vector.load %arg5[%get3A_32, %get3A_33] : memref<1000x1xf32, #tpu.memory_space<vmem>>, vector<1000x1xf32>
    %get3A_35 = arith.constant 0 : index
    %get3A_36 = arith.constant 0 : index
    %get3A_37 = vector.load %arg6[%get3A_35, %get3A_36] : memref<1000x1xf32, #tpu.memory_space<vmem>>, vector<1000x1xf32>
    %add3A_38 = arith.addf %get3A_34, %get3A_37 : vector<1000x1xf32>
    %add3A_39 = arith.constant 1.000000e+00 : f32
    %add3A_40 = vector.broadcast %add3A_39 : f32 to vector<1000x1xf32>
    %add3A_41 = arith.addf %add3A_38, %add3A_40 : vector<1000x1xf32>
    %rsqrt3A_42 = math.rsqrt %add3A_41 : vector<1000x1xf32>
    %get3A_43 = arith.constant 0 : index
    %get3A_44 = arith.constant 0 : index
    %get3A_45 = vector.load %arg7[%get3A_43, %get3A_44] : memref<128x128xf32, #tpu.memory_space<vmem>>, vector<128x128xf32>
    %dot_general3A = arith.constant dense<0.000000e+00> : vector<1000x128xf32>
    %dot_general3A_46 = tpu.matmul %max3A_31, %get3A_45, %dot_general3A {dimension_numbers = #tpu.dot_dimension_numbers<[1], [0], [0], [1], [0, 0, 1, 1], [], []>, transpose_lhs_hint = false} : vector<1000x128xf32>, vector<128x128xf32>, vector<1000x128xf32> -> vector<1000x128xf32>
    %mul3A_47 = vector.broadcast %rsqrt3A_42 : vector<1000x1xf32> to vector<1000x128xf32>
    %mul3A_48 = arith.mulf %dot_general3A_46, %mul3A_47 : vector<1000x128xf32>
    %swap3A = arith.constant 0 : index
    %swap3A_49 = arith.constant 0 : index
    %swap3A_50 = vector.load %arg8[%swap3A, %swap3A_49] : memref<1000x128xf32, #tpu.memory_space<vmem>>, vector<1000x128xf32>
    tpu.vector_store %arg8[%swap3A, %swap3A_49], %mul3A_48 {strides = array<i32>} : memref<1000x128xf32, #tpu.memory_space<vmem>>, vector<1000x128xf32>,
    return
  }
  func.func @transform_0(%arg0: i32) -> (i32, i32) {
    %c0_i32 = arith.constant 0 : i32
    %c0_i32_0 = arith.constant 0 : i32
    return %arg0, %c0_i32 : i32, i32
  }
  func.func @transform_1(%arg0: i32) -> (i32, i32) {
    %c0_i32 = arith.constant 0 : i32
    %c0_i32_0 = arith.constant 0 : i32
    %c0_i32_1 = arith.constant 0 : i32
    return %c0_i32, %c0_i32_0 : i32, i32
  }
  func.func @transform_2(%arg0: i32) -> (i32, i32) {
    %c0_i32 = arith.constant 0 : i32
    %c0_i32_0 = arith.constant 0 : i32
    %c0_i32_1 = arith.constant 0 : i32
    return %c0_i32, %c0_i32_0 : i32, i32
  }
  func.func @transform_3(%arg0: i32) -> (i32, i32) {
    %c0_i32 = arith.constant 0 : i32
    %c0_i32_0 = arith.constant 0 : i32
    %c0_i32_1 = arith.constant 0 : i32
    return %c0_i32, %c0_i32_0 : i32, i32
  }
  func.func @transform_4(%arg0: i32) -> (i32, i32) {
    %c0_i32 = arith.constant 0 : i32
    %c0_i32_0 = arith.constant 0 : i32
    return %arg0, %c0_i32 : i32, i32
  }
  func.func @transform_5(%arg0: i32) -> (i32, i32) {
    %c0_i32 = arith.constant 0 : i32
    %c0_i32_0 = arith.constant 0 : i32
    return %arg0, %c0_i32 : i32, i32
  }
  func.func @transform_6(%arg0: i32) -> (i32, i32) {
    %c0_i32 = arith.constant 0 : i32
    %c0_i32_0 = arith.constant 0 : i32
    %c0_i32_1 = arith.constant 0 : i32
    return %c0_i32, %c0_i32_0 : i32, i32
  }
  func.func @transform_7(%arg0: i32) -> (i32, i32) {
    %c0_i32 = arith.constant 0 : i32
    %c0_i32_0 = arith.constant 0 : i32
    return %arg0, %c0_i32 : i32, i32
  }
}

module attributes {stable_mosaic.version = 14 : i64} {
  func.func @_k5_body(%arg0: i32, %arg1: memref<1000x128xf32, #tpu.memory_space<vmem>>, %arg2: memref<8x128xf32, #tpu.memory_space<vmem>>, %arg3: memref<1x128xf32, #tpu.memory_space<vmem>>, %arg4: memref<1x128xf32, #tpu.memory_space<vmem>>, %arg5: memref<1000x1xi32, #tpu.memory_space<vmem>>, %arg6: memref<128x128xf32, #tpu.memory_space<vmem>>, %arg7: memref<128x128xf32, #tpu.memory_space<vmem>>) attributes {dimension_semantics = [#tpu.dimension_semantics<arbitrary>], iteration_bounds = array<i64: 10>, scalar_prefetch = 0 : i64, scratch_operands = 0 : i64, tpu.core_type = #tpu.core_type<tc>, window_params = [{transform_indices = @transform_0, window_bounds = array<i64: 1000, 128>}, {pipeline_mode = #tpu.pipeline_mode<synchronous>, transform_indices = @transform_1, window_bounds = array<i64: 8, 128>}, {pipeline_mode = #tpu.pipeline_mode<synchronous>, transform_indices = @transform_2, window_bounds = array<i64: 1, 128>}, {pipeline_mode = #tpu.pipeline_mode<synchronous>, transform_indices = @transform_3, window_bounds = array<i64: 1, 128>}, {transform_indices = @transform_4, window_bounds = array<i64: 1000, 1>}, {pipeline_mode = #tpu.pipeline_mode<synchronous>, transform_indices = @transform_5, window_bounds = array<i64: 128, 128>}, {pipeline_mode = #tpu.pipeline_mode<synchronous>, transform_indices = @transform_6, window_bounds = array<i64: 128, 128>}]} {
    %get3A = arith.constant 0 : index
    %get3A_0 = arith.constant 0 : index
    %get3A_1 = vector.load %arg2[%get3A, %get3A_0] : memref<8x128xf32, #tpu.memory_space<vmem>>, vector<1x128xf32>
    %mul3A = arith.constant 9.99999974E-5 : f32
    %mul3A_2 = vector.broadcast %mul3A : f32 to vector<1x128xf32>
    %mul3A_3 = arith.mulf %get3A_1, %mul3A_2 : vector<1x128xf32>
    %get3A_4 = arith.constant 1 : index
    %get3A_5 = arith.constant 0 : index
    %get3A_6 = vector.load %arg2[%get3A_4, %get3A_5] : memref<8x128xf32, #tpu.memory_space<vmem>>, vector<1x128xf32>
    %mul3A_7 = arith.constant 9.99999974E-5 : f32
    %mul3A_8 = vector.broadcast %mul3A_7 : f32 to vector<1x128xf32>
    %mul3A_9 = arith.mulf %get3A_6, %mul3A_8 : vector<1x128xf32>
    %mul3A_10 = arith.mulf %mul3A_3, %mul3A_3 : vector<1x128xf32>
    %sub3A = arith.subf %mul3A_9, %mul3A_10 : vector<1x128xf32>
    %add3A = arith.constant 9.99999974E-6 : f32
    %add3A_11 = vector.broadcast %add3A : f32 to vector<1x128xf32>
    %add3A_12 = arith.addf %sub3A, %add3A_11 : vector<1x128xf32>
    %rsqrt3A = math.rsqrt %add3A_12 : vector<1x128xf32>
    %get3A_13 = arith.constant 0 : index
    %get3A_14 = arith.constant 0 : index
    %get3A_15 = vector.load %arg1[%get3A_13, %get3A_14] : memref<1000x128xf32, #tpu.memory_space<vmem>>, vector<1000x128xf32>
    %sub3A_16 = vector.broadcast %mul3A_3 : vector<1x128xf32> to vector<1000x128xf32>
    %sub3A_17 = arith.subf %get3A_15, %sub3A_16 : vector<1000x128xf32>
    %mul3A_18 = vector.broadcast %rsqrt3A : vector<1x128xf32> to vector<1000x128xf32>
    %mul3A_19 = arith.mulf %sub3A_17, %mul3A_18 : vector<1000x128xf32>
    %get3A_20 = arith.constant 0 : index
    %get3A_21 = arith.constant 0 : index
    %get3A_22 = vector.load %arg3[%get3A_20, %get3A_21] : memref<1x128xf32, #tpu.memory_space<vmem>>, vector<1x128xf32>
    %mul3A_23 = vector.broadcast %get3A_22 : vector<1x128xf32> to vector<1000x128xf32>
    %mul3A_24 = arith.mulf %mul3A_19, %mul3A_23 : vector<1000x128xf32>
    %get3A_25 = arith.constant 0 : index
    %get3A_26 = arith.constant 0 : index
    %get3A_27 = vector.load %arg4[%get3A_25, %get3A_26] : memref<1x128xf32, #tpu.memory_space<vmem>>, vector<1x128xf32>
    %add3A_28 = vector.broadcast %get3A_27 : vector<1x128xf32> to vector<1000x128xf32>
    %add3A_29 = arith.addf %mul3A_24, %add3A_28 : vector<1000x128xf32>
    %max3A = arith.constant 0.000000e+00 : f32
    %max3A_30 = vector.broadcast %max3A : f32 to vector<1000x128xf32>
    %max3A_31 = arith.maximumf %add3A_29, %max3A_30 : vector<1000x128xf32>
    %iota3A = tpu.iota {dimensions = array<i32: 1>} : vector<1000x128xi32>
    %get3A_32 = arith.constant 0 : index
    %get3A_33 = arith.constant 0 : index
    %get3A_34 = vector.load %arg5[%get3A_32, %get3A_33] : memref<1000x1xi32, #tpu.memory_space<vmem>>, vector<1000x1xi32>
    %eq3A = vector.broadcast %get3A_34 : vector<1000x1xi32> to vector<1000x128xi32>
    %eq3A_35 = arith.cmpi eq, %eq3A, %iota3A : vector<1000x128xi32>
    %convert_element_type3A = arith.extui %eq3A_35 : vector<1000x128xi1> to vector<1000x128xi32>
    %convert_element_type3A_36 = arith.sitofp %convert_element_type3A : vector<1000x128xi32> to vector<1000x128xf32>
    %dot_general3A = arith.constant dense<0.000000e+00> : vector<128x128xf32>
    %dot_general3A_37 = tpu.matmul %convert_element_type3A_36, %max3A_31, %dot_general3A {dimension_numbers = #tpu.dot_dimension_numbers<[0], [0], [1], [1], [0, 1, 1, 1], [], []>, transpose_lhs_hint = false} : vector<1000x128xf32>, vector<1000x128xf32>, vector<128x128xf32> -> vector<128x128xf32>
    %broadcast_in_dim3A = arith.constant 1.000000e+00 : f32
    %broadcast_in_dim3A_38 = vector.broadcast %broadcast_in_dim3A : f32 to vector<1000x128xf32>
    %dot_general3A_39 = arith.constant dense<0.000000e+00> : vector<128x128xf32>
    %dot_general3A_40 = tpu.matmul %convert_element_type3A_36, %broadcast_in_dim3A_38, %dot_general3A_39 {dimension_numbers = #tpu.dot_dimension_numbers<[0], [0], [1], [1], [0, 1, 1, 1], [], []>, transpose_lhs_hint = false} : vector<1000x128xf32>, vector<1000x128xf32>, vector<128x128xf32> -> vector<128x128xf32>
    %eq3A_41 = arith.constant 0 : i32
    %eq3A_42 = arith.cmpi eq, %arg0, %eq3A_41 : i32
    %convert_element_type3A_43 = arith.extui %eq3A_42 : i1 to i32
    %cond3A = arith.constant 0 : i32
    %cond3A_44 = arith.cmpi ne, %convert_element_type3A_43, %cond3A : i32
    scf.if %cond3A_44 {
      %swap3A = arith.constant 0 : index
      %swap3A_49 = arith.constant 0 : index
      %swap3A_50 = vector.load %arg6[%swap3A, %swap3A_49] : memref<128x128xf32, #tpu.memory_space<vmem>>, vector<128x128xf32>
      tpu.vector_store %arg6[%swap3A, %swap3A_49], %dot_general3A_37 {strides = array<i32>} : memref<128x128xf32, #tpu.memory_space<vmem>>, vector<128x128xf32>,
      %swap3A_51 = arith.constant 0 : index
      %swap3A_52 = arith.constant 0 : index
      %swap3A_53 = vector.load %arg7[%swap3A_51, %swap3A_52] : memref<128x128xf32, #tpu.memory_space<vmem>>, vector<128x128xf32>
      tpu.vector_store %arg7[%swap3A_51, %swap3A_52], %dot_general3A_40 {strides = array<i32>} : memref<128x128xf32, #tpu.memory_space<vmem>>, vector<128x128xf32>,
    } else {
    }
    %gt3A = arith.constant 0 : i32
    %gt3A_45 = arith.cmpi sgt, %arg0, %gt3A : i32
    %convert_element_type3A_46 = arith.extui %gt3A_45 : i1 to i32
    %cond3A_47 = arith.constant 0 : i32
    %cond3A_48 = arith.cmpi ne, %convert_element_type3A_46, %cond3A_47 : i32
    scf.if %cond3A_48 {
      %get3A_49 = arith.constant 0 : index
      %get3A_50 = arith.constant 0 : index
      %get3A_51 = vector.load %arg6[%get3A_49, %get3A_50] : memref<128x128xf32, #tpu.memory_space<vmem>>, vector<128x128xf32>
      %add3A_52 = arith.addf %get3A_51, %dot_general3A_37 : vector<128x128xf32>
      %swap3A = arith.constant 0 : index
      %swap3A_53 = arith.constant 0 : index
      %swap3A_54 = vector.load %arg6[%swap3A, %swap3A_53] : memref<128x128xf32, #tpu.memory_space<vmem>>, vector<128x128xf32>
      tpu.vector_store %arg6[%swap3A, %swap3A_53], %add3A_52 {strides = array<i32>} : memref<128x128xf32, #tpu.memory_space<vmem>>, vector<128x128xf32>,
      %get3A_55 = arith.constant 0 : index
      %get3A_56 = arith.constant 0 : index
      %get3A_57 = vector.load %arg7[%get3A_55, %get3A_56] : memref<128x128xf32, #tpu.memory_space<vmem>>, vector<128x128xf32>
      %add3A_58 = arith.addf %get3A_57, %dot_general3A_40 : vector<128x128xf32>
      %swap3A_59 = arith.constant 0 : index
      %swap3A_60 = arith.constant 0 : index
      %swap3A_61 = vector.load %arg7[%swap3A_59, %swap3A_60] : memref<128x128xf32, #tpu.memory_space<vmem>>, vector<128x128xf32>
      tpu.vector_store %arg7[%swap3A_59, %swap3A_60], %add3A_58 {strides = array<i32>} : memref<128x128xf32, #tpu.memory_space<vmem>>, vector<128x128xf32>,
    } else {
    }
    return
  }
  func.func @transform_0(%arg0: i32) -> (i32, i32) {
    %c0_i32 = arith.constant 0 : i32
    %c0_i32_0 = arith.constant 0 : i32
    return %arg0, %c0_i32 : i32, i32
  }
  func.func @transform_1(%arg0: i32) -> (i32, i32) {
    %c0_i32 = arith.constant 0 : i32
    %c0_i32_0 = arith.constant 0 : i32
    %c0_i32_1 = arith.constant 0 : i32
    return %c0_i32, %c0_i32_0 : i32, i32
  }
  func.func @transform_2(%arg0: i32) -> (i32, i32) {
    %c0_i32 = arith.constant 0 : i32
    %c0_i32_0 = arith.constant 0 : i32
    %c0_i32_1 = arith.constant 0 : i32
    return %c0_i32, %c0_i32_0 : i32, i32
  }
  func.func @transform_3(%arg0: i32) -> (i32, i32) {
    %c0_i32 = arith.constant 0 : i32
    %c0_i32_0 = arith.constant 0 : i32
    %c0_i32_1 = arith.constant 0 : i32
    return %c0_i32, %c0_i32_0 : i32, i32
  }
  func.func @transform_4(%arg0: i32) -> (i32, i32) {
    %c0_i32 = arith.constant 0 : i32
    %c0_i32_0 = arith.constant 0 : i32
    return %arg0, %c0_i32 : i32, i32
  }
  func.func @transform_5(%arg0: i32) -> (i32, i32) {
    %c0_i32 = arith.constant 0 : i32
    %c0_i32_0 = arith.constant 0 : i32
    %c0_i32_1 = arith.constant 0 : i32
    return %c0_i32, %c0_i32_0 : i32, i32
  }
  func.func @transform_6(%arg0: i32) -> (i32, i32) {
    %c0_i32 = arith.constant 0 : i32
    %c0_i32_0 = arith.constant 0 : i32
    %c0_i32_1 = arith.constant 0 : i32
    return %c0_i32, %c0_i32_0 : i32, i32
  }
}

module attributes {stable_mosaic.version = 14 : i64} {
  func.func @_k6_body(%arg0: memref<128x128xf32, #tpu.memory_space<vmem>>, %arg1: memref<128x128xf32, #tpu.memory_space<vmem>>, %arg2: memref<128x128xf32, #tpu.memory_space<vmem>>, %arg3: memref<1x128xf32, #tpu.memory_space<vmem>>, %arg4: memref<128x128xf32, #tpu.memory_space<vmem>>) attributes {dimension_semantics = [], scalar_prefetch = 0 : i64, scratch_operands = 0 : i64, tpu.core_type = #tpu.core_type<tc>} {
    %get3A = arith.constant 0 : index
    %get3A_0 = arith.constant 0 : index
    %get3A_1 = vector.load %arg0[%get3A, %get3A_0] : memref<128x128xf32, #tpu.memory_space<vmem>>, vector<128x128xf32>
    %get3A_2 = arith.constant 0 : index
    %get3A_3 = arith.constant 0 : index
    %get3A_4 = vector.load %arg1[%get3A_2, %get3A_3] : memref<128x128xf32, #tpu.memory_space<vmem>>, vector<128x128xf32>
    %max3A = arith.constant 1.000000e+00 : f32
    %max3A_5 = vector.broadcast %max3A : f32 to vector<128x128xf32>
    %max3A_6 = arith.maximumf %get3A_4, %max3A_5 : vector<128x128xf32>
    %div3A = arith.divf %get3A_1, %max3A_6 : vector<128x128xf32>
    %get3A_7 = arith.constant 0 : index
    %get3A_8 = arith.constant 0 : index
    %get3A_9 = vector.load %arg2[%get3A_7, %get3A_8] : memref<128x128xf32, #tpu.memory_space<vmem>>, vector<128x128xf32>
    %dot_general3A = arith.constant dense<0.000000e+00> : vector<128x128xf32>
    %dot_general3A_10 = tpu.matmul %div3A, %get3A_9, %dot_general3A {dimension_numbers = #tpu.dot_dimension_numbers<[1], [0], [0], [1], [0, 0, 1, 1], [], []>, transpose_lhs_hint = false} : vector<128x128xf32>, vector<128x128xf32>, vector<128x128xf32> -> vector<128x128xf32>
    %get3A_11 = arith.constant 0 : index
    %get3A_12 = arith.constant 0 : index
    %get3A_13 = vector.load %arg3[%get3A_11, %get3A_12] : memref<1x128xf32, #tpu.memory_space<vmem>>, vector<1x128xf32>
    %add3A = vector.broadcast %get3A_13 : vector<1x128xf32> to vector<128x128xf32>
    %add3A_14 = arith.addf %dot_general3A_10, %add3A : vector<128x128xf32>
    %swap3A = arith.constant 0 : index
    %swap3A_15 = arith.constant 0 : index
    %swap3A_16 = vector.load %arg4[%swap3A, %swap3A_15] : memref<128x128xf32, #tpu.memory_space<vmem>>, vector<128x128xf32>
    tpu.vector_store %arg4[%swap3A, %swap3A_15], %add3A_14 {strides = array<i32>} : memref<128x128xf32, #tpu.memory_space<vmem>>, vector<128x128xf32>,
    return
  }
}

</mosaic_0001>

<sc_bundles>
// kernel: kernel.11.cloned.1.call-start
scs
__scs_entry_jumppad:
0x0: {  	(pc) =	sbr.rel $0x88, $3  }
0x1: {  	(tag) =	ssettag $0x0;
	lr =	simm.s32 $0x1  }
0x2: {  	[smem:$0x3F94] =	sst lr;
	_ =	strace $0xD0000000  }
0x3: {  	_ = 	snop  }
0x4: {  	_ = 	snop  }
0x5: {  	_ = 	snop  }
0x6: {  	_ = 	snop  }
0x7: {  	_ = 	snop  }
__scs_overlays_trampoline_lowered:
0x8: {  	[smem:$0x3FA3] =	sst s0  }
0x9: {  	[smem:$0x3FA4] =	sst s1  }
0xa: {  	[smem:$0x3FA5] =	sst s2  }
0xb: {  	[smem:$0x3FA6] =	sst s3  }
0xc: {  	[smem:$0x3FA7] =	sst s4  }
0xd: {  	[smem:$0x3FA8] =	sst s5  }
0xe: {  	[smem:$0x3FA9] =	sst s6  }
0xf: {  	[smem:$0x3FAA] =	sst s7  }
0x10: {  	[smem:$0x3FAB] =	sst s8  }
0x11: {  	[smem:$0x3FAC] =	sst s9;
	s0 =	simm.s32 @!p0 $0x0  }
0x12: {  	s1 =	sld [smem:$0x3F92];
	s0 =	simm.s32 @p0 $0x1  }
0x13: {  	[smem:$0x3FAD] =	sst s0;
	s0 =	simm.s32 @!p1 $0x0  }
0x14: {  	s2 =	sld [smem:$0x3F91];
	s0 =	simm.s32 @p1 $0x1  }
0x15: {  	[smem:$0x3FAE] =	sst s0;
	s0 =	simm.s32 @!p2 $0x0  }
0x16: {  	s3 =	sld [smem:$0x3FDB];
	s0 =	simm.s32 @p2 $0x1  }
0x17: {  	s4 =	simm.s32 $0x1BF5;
	[smem:$0x3FB0] =	sst s0  }
0x18: {  	s0 =	sld [smem:$0x3F93];
	_ =	swait.ge [sflag:s4], $0x0  }
0x19: {  	s7 =	sld [smem:$0x3F94]  }
0x1a: {  	s8 =	sadd.s32 $0xFFFFE003, lr  }
0x1b: {  	s9 =	sadd.s32 $0xFFFFFEF7, lr;
	s5 =	simm.s32 $0xFFFFFFFF;
	p2 =	slt.u32 s8, $0xFFFFF086  }
0x1c: {  	p1 =	slt.u32 s9, $0xF7A;
	s5 =	simm.s32 @!p2 $0x0  }
0x1d: {  	s5 =	simm.s32 @p1 $0x1;
	p0 =	seq.s32 s7, s2  }
0x1e: {  	s7 =	smul.u32 @!p0 $0xF7A, s2;
	p2 =	seq.s32 @!p0 s5, $0x0  }
0x1f: {  	s9 =	smul.u32 $0xF7A, s1;
	s8 =	simm.s32 @!p0 $0x1BF5;
	p2 =	por !p2, p0  }
0x20: {  	[sflag:s8] =	ssyncset.s32 @!p0 $0xFFFFF086;
	s6 =	sadd.s32 @!p0 s3, s7;
	s7 =	simm.s32 @!p0 $0x108  }
0x21: {  	s3 =	sadd.s32 s3, s9;
	s6 =	sadd.s32 @!p0 $0x88, s6;
	s7 =	simm.s32 @p2 $0x1082  }
0x22: {  	[simem:s7], [sflag:s8] =	dma.local @!p0 [hbm:s6], $0xF7A  }
0x23: {  	s9 =	sor.u32 $0xD0000000, s2;
	s6 =	simm.s32 $0x108;
	_ =	swait.ge @!p0 [sflag:s8], $0x0  }
0x24: {  	s3 =	sadd.s32 $0x88, s3;
	s6 =	simm.s32 @!p1 $0x1082;
	[sflag:s4] =	ssyncset.s32 $0xFFFFF086  }
0x25: {  	[simem:s6], [sflag:s4] =	dma.local [hbm:s3], $0xF7A  }
0x26: {  	[smem:$0x3F94] =	sst s1;
	(tag) =	ssettag s2;
	_ =	strace s9  }
0x27: {  	s1 =	sld [smem:$0x3FA4]  }
0x28: {  	s2 =	sld [smem:$0x3FA5]  }
0x29: {  	s4 =	sld [smem:$0x3FA7]  }
0x2a: {  	p0 =	seq.s32 s5, $0x0;
	s5 =	sld [smem:$0x3FA8]  }
0x2b: {  	s6 =	sld [smem:$0x3FA9]  }
0x2c: {  	s7 =	sld [smem:$0x3FAA]  }
0x2d: {  	s3 =	simm.s32 $0x108;
	s8 =	sld [smem:$0x3FAB]  }
0x2e: {  	s3 =	simm.s32 @!p0 $0x1082;
	s9 =	sld [smem:$0x3FAC]  }
0x2f: {  	lr =	sadd.s32 s0, s3;
	s0 =	sld [smem:$0x3FA3]  }
0x30: {  	s3 =	sld [smem:$0x3FA6]  }
0x31: {  	[smem:$0x3FAF] =	sst s10  }
0x32: {  	s10 =	sld [smem:$0x3FAD];
	_ =	sdelay $0x3  }
0x33: {  	p0 =	seq.s32 s10, $0x1;
	s10 =	sld [smem:$0x3FAF];
	_ =	sdelay $0x3  }
0x34: {  	[smem:$0x3FAF] =	sst s10  }
0x35: {  	s10 =	sld [smem:$0x3FAE];
	_ =	sdelay $0x3  }
0x36: {  	p1 =	seq.s32 s10, $0x1;
	s10 =	sld [smem:$0x3FAF];
	_ =	sdelay $0x3  }
0x37: {  	[smem:$0x3FAF] =	sst s10  }
0x38: {  	s10 =	sld [smem:$0x3FB0]  }
0x39: {  	_ = 	snop;
	(pc) =	sbr.ind lr, $3  }
0x3a: {  	_ = 	snop  }
0x3b: {  	_ = 	snop  }
0x3c: {  	p2 =	seq.s32 s10, $0x1;
	s10 =	sld [smem:$0x3FAF]  }
0x3d: {  	_ =	shalt  }
0x3e: {  	_ =	shalt  }
0x3f: {  	_ =	shalt  }
0x40: {  	_ =	shalt  }
0x41: {  	_ =	shalt  }
0x42: {  	_ =	shalt  }
0x43: {  	_ =	shalt  }
0x44: {  	_ =	shalt  }
0x45: {  	_ =	shalt  }
0x46: {  	_ =	shalt  }
0x47: {  	_ =	shalt  }
0x48: {  	_ =	shalt  }
0x49: {  	_ =	shalt  }
0x4a: {  	_ =	shalt  }
0x4b: {  	_ =	shalt  }
0x4c: {  	_ =	shalt  }
0x4d: {  	_ =	shalt  }
0x4e: {  	_ =	shalt  }
0x4f: {  	_ =	shalt  }
0x50: {  	_ =	shalt  }
0x51: {  	_ =	shalt  }
0x52: {  	_ =	shalt  }
0x53: {  	_ =	shalt  }
0x54: {  	_ =	shalt  }
0x55: {  	_ =	shalt  }
0x56: {  	_ =	shalt  }
0x57: {  	_ =	shalt  }
0x58: {  	_ =	shalt  }
0x59: {  	_ =	shalt  }
0x5a: {  	_ =	shalt  }
0x5b: {  	_ =	shalt  }
0x5c: {  	_ =	shalt  }
0x5d: {  	_ =	shalt  }
0x5e: {  	_ =	shalt  }
0x5f: {  	_ =	shalt  }
0x60: {  	_ =	shalt  }
0x61: {  	_ =	shalt  }
0x62: {  	_ =	shalt  }
0x63: {  	_ =	shalt  }
0x64: {  	_ =	shalt  }
0x65: {  	_ =	shalt  }
0x66: {  	_ =	shalt  }
0x67: {  	_ =	shalt  }
0x68: {  	_ =	shalt  }
0x69: {  	_ =	shalt  }
0x6a: {  	_ =	shalt  }
0x6b: {  	_ =	shalt  }
0x6c: {  	_ =	shalt  }
0x6d: {  	_ =	shalt  }
0x6e: {  	_ =	shalt  }
0x6f: {  	_ =	shalt  }
0x70: {  	_ =	shalt  }
0x71: {  	_ =	shalt  }
0x72: {  	_ =	shalt  }
0x73: {  	_ =	shalt  }
0x74: {  	_ =	shalt  }
0x75: {  	_ =	shalt  }
0x76: {  	_ =	shalt  }
0x77: {  	_ =	shalt  }
0x78: {  	_ =	shalt  }
0x79: {  	_ =	shalt  }
0x7a: {  	_ =	shalt  }
0x7b: {  	_ =	shalt  }
0x7c: {  	_ =	shalt  }
0x7d: {  	_ =	shalt  }
0x7e: {  	_ =	shalt  }
0x7f: {  	_ =	shalt  }
0x80: {  	_ =	shalt  }
0x81: {  	_ =	shalt  }
0x82: {  	_ =	shalt  }
0x83: {  	_ =	shalt  }
0x84: {  	_ =	shalt  }
0x85: {  	_ =	shalt  }
0x86: {  	_ =	shalt  }
0x87: {  	_ =	shalt  }
.Lfunc_end0:
.L_simem_size_0:
called_computation_lowered:
.L_overlay_start_0:
0x88: {  	s2 =	sld [smem:$0x3FD9]  }
0x89: {  	s3 =	sld [smem:$0x3FFE];
	_ =	sdelay $0x1  }
0x8a: {  	s1 =	srdreg.scid  }
0x8b: {  	s0 =	sand.u32 $0x1, s1  }
0x8c: {  	s17 =	sshll.u32 s0, $0xA;
	s2 =	sadd.s32 s3, s2  }
0x8d: {  	s2 =	sadd.s32 s2, s17  }
0x8e: {  	[smem:$0x3FBB] =	sst s2  }
0x8f: {  	_ = 	snop  }
0x90: {  	s2 =	sld [smem:$0x3FD0];
	(tm) =	ssettm $0x1  }
0x91: {  	s18 =	sld [smem:$0x3FFB];
	_ =	sdelay $0x3  }
0x92: {  	_ =	strace s18  }
0x93: {  	s3 =	sld [smem:$0x3FFC];
	_ =	sdelay $0x3  }
0x94: {  	_ =	strace s3  }
0x95: {  	s3 =	sld [smem:$0x3FFD];
	_ =	sdelay $0x3  }
0x96: {  	_ =	strace s3  }
0x97: {  	_ =	strace $0x8FFFFFFF  }
0x98: {  	s19 =	sld [smem:$0x3FDB];
	_ =	sdelay $0x1  }
0x99: {  	s4 =	simm.s32 $_scs_section_size  }
0x9a: {  	s5 =	simm.s32 $_size__tile_overlayer_lowered;
	s6 =	simm.s32 $_tile_overlayer_lowered  }
0x9b: {  	s22 =	simm.s32 $0x1BFF;
	s21 =	sshll.u32 s6, $0x1;
	s3 =	sadd.s32 s4, s19  }
0x9c: {  	s7 =	simm.s32 $0x0;
	s20 =	sshll.u32 s5, $0x1;
	s5 =	sadd.s32 s21, s3  }
0x9d: {  	[timem:s7], [sflag:s22] =	dma.local [hbm:s5], s20  }
0x9e: {  	_ =	swait.ge [sflag:s22], s20  }
0x9f: {  	s4 =	ssub.s32 $0x0, s20;
	[sflag:s22] =	ssyncset.done $0x0  }
0xa0: {  	[sflag:s22] =	ssyncadd.s32 s4;
	_ =	sdelay $0x1  }
0xa1: {  	s23 =	simm.s32 $0x1B8B  }
0xa2: {  	_ =	swait.ge [sflag:s23], $0x1  }
0xa3: {  	[sflag:s23] =	ssyncset.done $0x0  }
0xa4: {  	s25 =	simm.s32 $0x1B8E;
	s24 =	sld [smem:$0x3FFE];
	[sflag:s23] =	ssyncadd.s32 $0xFFFFFFFF  }
0xa5: {  	s26 =	simm.s32 $execute0_lowered;
	[smem:$0x3FD2] =	sst s25  }
0xa6: {  	s5 =	sshll.u32 s26, $0x1;
	_ =	strace $0x80000046;
	[dreg:$0x1] =	wrdreg $0xFFFFFFFF  }
0xa7: {  	s28 =	simm.s32 $_size_execute0_lowered;
	s3 =	sadd.s32 s3, s5;
	[dreg:$0x0] =	wrdreg $0x0  }
0xa8: {  	s5 =	sshll.u32 s28, $0x1;
	[dreg:$0x2] =	wrdreg s3  }
0xa9: {  	[dreg:$0x3] =	wrdreg s5  }
0xaa: {  	[dreg:$0x4] =	wrdreg $0xC0  }
0xab: {  	_ =	task [dreg:s7], $0x5FFFF  }
0xac: {  	[dreg:$0x1] =	wrdreg $0xFFFFFFFF  }
0xad: {  	[dreg:$0x0] =	wrdreg $0x60  }
0xae: {  	[dreg:$0x2] =	wrdreg s24  }
0xaf: {  	[dreg:$0x3] =	wrdreg s2  }
0xb0: {  	[dreg:$0x4] =	wrdreg $0x1000  }
0xb1: {  	[dreg:$0x5] =	wrdreg $0x9  }
0xb2: {  	_ =	task.clear_ibuf [dreg:s7], $0x6FFFF;
	_ =	strace $0x90000046  }
0xb3: {  	s29 =	simm.s32 $0x9;
	_ =	strace $0x80000048  }
0xb4: {  	_ =	swait.ge [sflag:s29], $0x1  }
0xb5: {  	[sflag:s29] =	ssyncadd.s32 $0xFFFFFFFF  }
0xb6: {  	_ =	strace $0x90000048  }
0xb7: {  	_ =	sfence  }
0xb8: {  	s30 =	sld [smem:$0x0];
	_ =	sdelay $0x2  }
0xb9: {  	s31 =	sshll.u32 s1, $0xD;
	s1 =	sshrl.u32 s1, $0x2  }
0xba: {  	s3 =	sand.u32 $0x4000, s31;
	s1 =	sadd.s32 s1, s30  }
0xbb: {  	s0 =	sor.u32 s3, s0;
	s1 =	sshll.u32 s1, $0x11  }
0xbc: {  	s0 =	sor.u32 s1, s0  }
0xbd: {  	s0 =	sadd.s32 $0x8F2B, s0  }
0xbe: {  	[sflag:s0] =	ssyncadd.remote.s32 $0x1  }
0xbf: {  	_ =	sfence.sel $0xFFFF  }
0xc0: {  	[dreg:$0x0] =	wrdreg $0xFFFFFFFF;
	(pc) =	sbr.abs _section_cstart, $3  }
0xc1: {  	[dreg:$0x1] =	wrdreg $0xFFFFFFFF  }
0xc2: {  	_ =	task.clear_ibuf [dreg:s7], $0x2FFFF;
	_ =	strace $0x9FFFFFFF  }
0xc3: {  	(tm) =	ssettm $0x7FFFFFFF  }
tec
execute0_lowered:
.L_overlay_start_1:
0x0: {  	(tag) =	ssettag $0x1  }
0x1: {  	s5 =	rddreg [dreg:$0x0]  }
0x2: {  	s2 =	rddreg [dreg:$0x1]  }
0x3: {  	s3 =	rddreg [dreg:$0x2]  }
0x4: {  	s0 =	srdreg.scid;
	s1 =	rddreg [dreg:$0x3]  }
0x5: {  	s4 =	simm.s32 $0x0;
	s11 =	simm.s32 $0x50;
	s6 =	sand.u32 $0x1, s0  }
0x6: {  	s12 =	simm.s32 $0x80;
	s0 =	stileid.u32;
	s7 =	smul.u32 $0x27100, s6  }
0x7: {  	s13 =	simm.s32 $0x20;
	s14 =	simm.s32 $0x10;
	s8 =	smul.u32 $0x2710, s0  }
0x8: {  	s15 =	simm.s32 $0x0;
	[smem:$0x7FF] =	sst s4;
	s9 =	smul.u32 $0x500, s0  }
0x9: {  	s24 =	sshll.u32 s6, $0x7;
	_ =	strace $0x80000047;
	s6 =	ssub.s32 $0x2, s6  }
0xa: {  	s25 =	smul.u32 $0xA00, s0;
	s31 =	sshll.u32 s0, $0x6;
	s28 =	sshrl.u32 s6, $0x1  }
0xb: {  	s7 =	sadd.s32 s8, s7;
	s8 =	sor.u32 s24, s9;
	s29 =	ssub.s32 s6, s28  }
0xc: {  	s30 =	sshrl.u32 s25, $0x2;
	s7 =	sshrl.u32 s7, $0x3;
	s8 =	sshrl.u32 s8, $0x3  }
0xd: {  	s9 =	sadd.s32 s30, s3;
	s10 =	sadd.s32 s7, s5;
	s26 =	sadd.s32 s8, s5  }
0xe: {  	s5 =	sor.u32 $0x1C01, s31;
	s7 =	smax.u32 s29, $0x1;
	s9 =	sshrl.u32 s9, $0x3  }
0xf: {  	v0 =	vimm.f32 $1.000000000e+00;
	s6 =	sadd.s32 $0x19600, s26;
	s8 =	sadd.s32 $0x5A00, s10;
	s10 =	simm.s32 $0x1  }
.LBB2_1:
0x10: {  	[spmem:s9], [sflag:s5] =	dma.local [hbm:s2], $0x50  }
0x11: {  	_ =	swait.ge [sflag:s10], $0x50  }
0x12: {  	[sflag:s10] =	ssyncset.done $0x0  }
0x13: {  	[sflag:s10] =	ssyncadd.s32 $0xFFFFFFB0  }
0x14: {  	[tilespmem:$0x80] =	vst v0  }
0x15: {  	[tilespmem:$0x90] =	vst v0  }
0x16: {  	[tilespmem:$0xA0] =	vst v0  }
0x17: {  	[tilespmem:$0xB0] =	vst v0  }
0x18: {  	[tilespmem:$0xC0] =	vst v0  }
0x19: {  	s16 =	sadd.s32 $0x0, s8;
	[bflag:$0x0] =	sbarrier.arrive $0xFFFF  }
0x1a: {  	[tilespmem:s4], [sflag:$0x1] =	stream.linear.gather [hbm4b:s16+s4], $0x50, $0x38;
	[tilespmem:$0x380] =	vst v63  }
0x1b: {  	_ =	swait.ge [sflag:s10], $0x50  }
0x1c: {  	[sflag:s10] =	ssyncset.done $0x0  }
0x1d: {  	[sflag:s10] =	ssyncadd.s32 $0xFFFFFFB0  }
0x1e: {  	[spmem:s3] =	stream.indirect.scatter.add.f32 [tilespmem:s12], [sflag:$0x1], $0x1, s4, s11, $0xb8;
	[tilespmem:$0x380] =	vst v63  }
0x1f: {  	_ =	swait.ge [sflag:s10], $0x50  }
0x20: {  	s17 =	simm.s32 $0x14;
	s16 =	simm.s32 $0xA;
	[sflag:s10] =	ssyncset.done $0x0  }
.LBB2_2:
0x21: {  	s18 =	sadd.s32 s16, s8  }
0x22: {  	[sflag:s10] =	ssyncadd.s32 $0xFFFFFFB0;
	s16 =	smov.u32 s17;
	s19 =	sadd.s32 $0xA, s17  }
0x23: {  	[tilespmem:s4], [sflag:$0x1] =	stream.linear.gather [hbm4b:s18+s4], $0x50, $0x38;
	[tilespmem:$0x380] =	vst v63  }
0x24: {  	p0 =	sne.s32 s17, $0x4D8;
	_ =	swait.ge [sflag:s10], $0x50  }
.Ltmp0:
0x25: {  	[sflag:s10] =	ssyncset.done $0x0;
	(pc) =	sbr.rel @p0 .LBB2_2-.Ltmp0, $4  }
0x26: {  	[sflag:s10] =	ssyncadd.s32 $0xFFFFFFB0  }
0x27: {  	[spmem:s3] =	stream.indirect.scatter.add.f32 [tilespmem:s12], [sflag:$0x1], $0x1, s4, s11, $0xb8;
	[tilespmem:$0x380] =	vst v63  }
0x28: {  	_ =	swait.ge [sflag:s10], $0x50  }
0x29: {  	s17 =	smov.u32 s19;
	[sflag:s10] =	ssyncset.done $0x0  }
0x2a: {  	s16 =	sadd.s32 s16, s8;
	[sflag:s10] =	ssyncadd.s32 $0xFFFFFFB0  }
0x2b: {  	[tilespmem:s4], [sflag:$0x1] =	stream.linear.gather [hbm4b:s16+s4], $0x50, $0x38;
	[tilespmem:$0x380] =	vst v63  }
0x2c: {  	_ =	swait.ge [sflag:s10], $0x50  }
0x2d: {  	[sflag:s10] =	ssyncset.done $0x0  }
0x2e: {  	[sflag:s10] =	ssyncadd.s32 $0xFFFFFFB0  }
0x2f: {  	[spmem:s3] =	stream.indirect.scatter.add.f32 [tilespmem:s12], [sflag:$0x1], $0x1, s4, s11, $0xb8;
	[tilespmem:$0x380] =	vst v63  }
0x30: {  	_ =	swait.ge [sflag:s10], $0x50  }
0x31: {  	s15 =	sadd.s32 $0x1, s15;
	[sflag:s10] =	ssyncset.done $0x0  }
0x32: {  	p0 =	sne.s32 s15, s7;
	[sflag:s10] =	ssyncadd.s32 $0xFFFFFFB0  }
.Ltmp1:
0x33: {  	[bflag:$0x0] =	sbarrier.arrive $0xFFFF;
	(pc) =	sbr.rel @p0 .LBB2_1-.Ltmp1, $4  }
0x34: {  	[hbm:s6@s13], [sflag:s5] =	dma.strided [spmem:s9@s14], $0x50, s10, $0x10   }
0x35: {  	_ =	swait.ge [sflag:s10], $0x50  }
0x36: {  	[sflag:s10] =	ssyncset.done $0x0  }
0x37: {  	[sflag:s10] =	ssyncadd.s32 $0xFFFFFFB0  }
0x38: {  	_ =	sfence.sel $0x180000  }
0x39: {  	[bflag:$0x0] =	sbarrier.arrive $0xFFFF  }
0x3a: {  	p0 =	sne.s32 s0, $0x0;
	_ =	strace $0x90000047  }
0x3b: {  	s0 =	sadd.s32 @!p0 $0x100000, s1;
	[bflag:$0x2] =	sbarrier.arrive $0xFFFF  }
0x3c: {  	[sflag:s0] =	ssyncadd.tile.s32 @!p0 $0x1;
	_ =	shalt  }
.Lfunc_end2:
_tile_overlayer_lowered:
.L_overlay_start_2:
0x3d: {  	(tag) =	ssettag $0x2  }
0x3e: {  	s0 =	rddreg [dreg:$0x0];
	s2 =	stileid.u32  }
0x3f: {  	s1 =	rddreg [dreg:$0x1];
	p0 =	sne.s32 s2, $0x0  }
0x40: {  	s3 =	rddreg [dreg:$0x2];
	[bflag:$0x3] =	sbarrier.arrive $0xFFFF;
	s2 =	simm.s32 @!p0 $0x1C01  }
0x41: {  	[timem:s3], [sflag:s2] =	dma.local @!p0 [hbm:s0], s1  }
0x42: {  	s0 =	simm.s32 @!p0 $0x1  }
0x43: {  	_ =	swait.ge @!p0 [sflag:s0], s1  }
0x44: {  	s1 =	ssub.s32 @!p0 $0x0, s1;
	[sflag:s0] =	ssyncset.done @!p0 $0x0  }
0x45: {  	[sflag:s0] =	ssyncadd.s32 @!p0 s1  }
0x46: {  	[bflag:$0x3] =	sbarrier.arrive $0xFFFF  }
0x47: {  	_ =	shalt  }

// kernel: kernel.14.cloned.1.call-start
scs
__scs_entry_jumppad:
0x0: {  	(pc) =	sbr.rel $0x88, $3  }
0x1: {  	(tag) =	ssettag $0x0;
	lr =	simm.s32 $0x1  }
0x2: {  	[smem:$0x3F94] =	sst lr;
	_ =	strace $0xD0000000  }
0x3: {  	_ = 	snop  }
0x4: {  	_ = 	snop  }
0x5: {  	_ = 	snop  }
0x6: {  	_ = 	snop  }
0x7: {  	_ = 	snop  }
__scs_overlays_trampoline_lowered:
0x8: {  	[smem:$0x3FA3] =	sst s0  }
0x9: {  	[smem:$0x3FA4] =	sst s1  }
0xa: {  	[smem:$0x3FA5] =	sst s2  }
0xb: {  	[smem:$0x3FA6] =	sst s3  }
0xc: {  	[smem:$0x3FA7] =	sst s4  }
0xd: {  	[smem:$0x3FA8] =	sst s5  }
0xe: {  	[smem:$0x3FA9] =	sst s6  }
0xf: {  	[smem:$0x3FAA] =	sst s7  }
0x10: {  	[smem:$0x3FAB] =	sst s8  }
0x11: {  	[smem:$0x3FAC] =	sst s9;
	s0 =	simm.s32 @!p0 $0x0  }
0x12: {  	s1 =	sld [smem:$0x3F92];
	s0 =	simm.s32 @p0 $0x1  }
0x13: {  	[smem:$0x3FAD] =	sst s0;
	s0 =	simm.s32 @!p1 $0x0  }
0x14: {  	s2 =	sld [smem:$0x3F91];
	s0 =	simm.s32 @p1 $0x1  }
0x15: {  	[smem:$0x3FAE] =	sst s0;
	s0 =	simm.s32 @!p2 $0x0  }
0x16: {  	s3 =	sld [smem:$0x3FDB];
	s0 =	simm.s32 @p2 $0x1  }
0x17: {  	s4 =	simm.s32 $0x1BF5;
	[smem:$0x3FB0] =	sst s0  }
0x18: {  	s0 =	sld [smem:$0x3F93];
	_ =	swait.ge [sflag:s4], $0x0  }
0x19: {  	s7 =	sld [smem:$0x3F94]  }
0x1a: {  	s8 =	sadd.s32 $0xFFFFE003, lr  }
0x1b: {  	s9 =	sadd.s32 $0xFFFFFEF7, lr;
	s5 =	simm.s32 $0xFFFFFFFF;
	p2 =	slt.u32 s8, $0xFFFFF086  }
0x1c: {  	p1 =	slt.u32 s9, $0xF7A;
	s5 =	simm.s32 @!p2 $0x0  }
0x1d: {  	s5 =	simm.s32 @p1 $0x1;
	p0 =	seq.s32 s7, s2  }
0x1e: {  	s7 =	smul.u32 @!p0 $0xF7A, s2;
	p2 =	seq.s32 @!p0 s5, $0x0  }
0x1f: {  	s9 =	smul.u32 $0xF7A, s1;
	s8 =	simm.s32 @!p0 $0x1BF5;
	p2 =	por !p2, p0  }
0x20: {  	[sflag:s8] =	ssyncset.s32 @!p0 $0xFFFFF086;
	s6 =	sadd.s32 @!p0 s3, s7;
	s7 =	simm.s32 @!p0 $0x108  }
0x21: {  	s3 =	sadd.s32 s3, s9;
	s6 =	sadd.s32 @!p0 $0x88, s6;
	s7 =	simm.s32 @p2 $0x1082  }
0x22: {  	[simem:s7], [sflag:s8] =	dma.local @!p0 [hbm:s6], $0xF7A  }
0x23: {  	s9 =	sor.u32 $0xD0000000, s2;
	s6 =	simm.s32 $0x108;
	_ =	swait.ge @!p0 [sflag:s8], $0x0  }
0x24: {  	s3 =	sadd.s32 $0x88, s3;
	s6 =	simm.s32 @!p1 $0x1082;
	[sflag:s4] =	ssyncset.s32 $0xFFFFF086  }
0x25: {  	[simem:s6], [sflag:s4] =	dma.local [hbm:s3], $0xF7A  }
0x26: {  	[smem:$0x3F94] =	sst s1;
	(tag) =	ssettag s2;
	_ =	strace s9  }
0x27: {  	s1 =	sld [smem:$0x3FA4]  }
0x28: {  	s2 =	sld [smem:$0x3FA5]  }
0x29: {  	s4 =	sld [smem:$0x3FA7]  }
0x2a: {  	p0 =	seq.s32 s5, $0x0;
	s5 =	sld [smem:$0x3FA8]  }
0x2b: {  	s6 =	sld [smem:$0x3FA9]  }
0x2c: {  	s7 =	sld [smem:$0x3FAA]  }
0x2d: {  	s3 =	simm.s32 $0x108;
	s8 =	sld [smem:$0x3FAB]  }
0x2e: {  	s3 =	simm.s32 @!p0 $0x1082;
	s9 =	sld [smem:$0x3FAC]  }
0x2f: {  	lr =	sadd.s32 s0, s3;
	s0 =	sld [smem:$0x3FA3]  }
0x30: {  	s3 =	sld [smem:$0x3FA6]  }
0x31: {  	[smem:$0x3FAF] =	sst s10  }
0x32: {  	s10 =	sld [smem:$0x3FAD];
	_ =	sdelay $0x3  }
0x33: {  	p0 =	seq.s32 s10, $0x1;
	s10 =	sld [smem:$0x3FAF];
	_ =	sdelay $0x3  }
0x34: {  	[smem:$0x3FAF] =	sst s10  }
0x35: {  	s10 =	sld [smem:$0x3FAE];
	_ =	sdelay $0x3  }
0x36: {  	p1 =	seq.s32 s10, $0x1;
	s10 =	sld [smem:$0x3FAF];
	_ =	sdelay $0x3  }
0x37: {  	[smem:$0x3FAF] =	sst s10  }
0x38: {  	s10 =	sld [smem:$0x3FB0]  }
0x39: {  	_ = 	snop;
	(pc) =	sbr.ind lr, $3  }
0x3a: {  	_ = 	snop  }
0x3b: {  	_ = 	snop  }
0x3c: {  	p2 =	seq.s32 s10, $0x1;
	s10 =	sld [smem:$0x3FAF]  }
0x3d: {  	_ =	shalt  }
0x3e: {  	_ =	shalt  }
0x3f: {  	_ =	shalt  }
0x40: {  	_ =	shalt  }
0x41: {  	_ =	shalt  }
0x42: {  	_ =	shalt  }
0x43: {  	_ =	shalt  }
0x44: {  	_ =	shalt  }
0x45: {  	_ =	shalt  }
0x46: {  	_ =	shalt  }
0x47: {  	_ =	shalt  }
0x48: {  	_ =	shalt  }
0x49: {  	_ =	shalt  }
0x4a: {  	_ =	shalt  }
0x4b: {  	_ =	shalt  }
0x4c: {  	_ =	shalt  }
0x4d: {  	_ =	shalt  }
0x4e: {  	_ =	shalt  }
0x4f: {  	_ =	shalt  }
0x50: {  	_ =	shalt  }
0x51: {  	_ =	shalt  }
0x52: {  	_ =	shalt  }
0x53: {  	_ =	shalt  }
0x54: {  	_ =	shalt  }
0x55: {  	_ =	shalt  }
0x56: {  	_ =	shalt  }
0x57: {  	_ =	shalt  }
0x58: {  	_ =	shalt  }
0x59: {  	_ =	shalt  }
0x5a: {  	_ =	shalt  }
0x5b: {  	_ =	shalt  }
0x5c: {  	_ =	shalt  }
0x5d: {  	_ =	shalt  }
0x5e: {  	_ =	shalt  }
0x5f: {  	_ =	shalt  }
0x60: {  	_ =	shalt  }
0x61: {  	_ =	shalt  }
0x62: {  	_ =	shalt  }
0x63: {  	_ =	shalt  }
0x64: {  	_ =	shalt  }
0x65: {  	_ =	shalt  }
0x66: {  	_ =	shalt  }
0x67: {  	_ =	shalt  }
0x68: {  	_ =	shalt  }
0x69: {  	_ =	shalt  }
0x6a: {  	_ =	shalt  }
0x6b: {  	_ =	shalt  }
0x6c: {  	_ =	shalt  }
0x6d: {  	_ =	shalt  }
0x6e: {  	_ =	shalt  }
0x6f: {  	_ =	shalt  }
0x70: {  	_ =	shalt  }
0x71: {  	_ =	shalt  }
0x72: {  	_ =	shalt  }
0x73: {  	_ =	shalt  }
0x74: {  	_ =	shalt  }
0x75: {  	_ =	shalt  }
0x76: {  	_ =	shalt  }
0x77: {  	_ =	shalt  }
0x78: {  	_ =	shalt  }
0x79: {  	_ =	shalt  }
0x7a: {  	_ =	shalt  }
0x7b: {  	_ =	shalt  }
0x7c: {  	_ =	shalt  }
0x7d: {  	_ =	shalt  }
0x7e: {  	_ =	shalt  }
0x7f: {  	_ =	shalt  }
0x80: {  	_ =	shalt  }
0x81: {  	_ =	shalt  }
0x82: {  	_ =	shalt  }
0x83: {  	_ =	shalt  }
0x84: {  	_ =	shalt  }
0x85: {  	_ =	shalt  }
0x86: {  	_ =	shalt  }
0x87: {  	_ =	shalt  }
.Lfunc_end0:
.L_simem_size_0:
called_computation.1_lowered:
.L_overlay_start_0:
0x88: {  	s2 =	sld [smem:$0x3FD9]  }
0x89: {  	s3 =	sld [smem:$0x3FFE];
	_ =	sdelay $0x1  }
0x8a: {  	s1 =	srdreg.scid  }
0x8b: {  	s0 =	sand.u32 $0x1, s1  }
0x8c: {  	s16 =	sshll.u32 s0, $0xA;
	s2 =	sadd.s32 s3, s2  }
0x8d: {  	s2 =	sadd.s32 s2, s16  }
0x8e: {  	[smem:$0x3FBB] =	sst s2  }
0x8f: {  	_ = 	snop  }
0x90: {  	(tm) =	ssettm $0x1  }
0x91: {  	s17 =	sld [smem:$0x3FFB];
	_ =	sdelay $0x3  }
0x92: {  	_ =	strace s17  }
0x93: {  	s2 =	sld [smem:$0x3FFC];
	_ =	sdelay $0x3  }
0x94: {  	_ =	strace s2  }
0x95: {  	s2 =	sld [smem:$0x3FFD];
	_ =	sdelay $0x3  }
0x96: {  	_ =	strace s2  }
0x97: {  	_ =	strace $0x8FFFFFFF  }
0x98: {  	s18 =	sld [smem:$0x3FDB];
	_ =	sdelay $0x1  }
0x99: {  	s19 =	simm.s32 $_scs_section_size  }
0x9a: {  	s4 =	simm.s32 $_size__tile_overlayer_lowered;
	s5 =	simm.s32 $_tile_overlayer_lowered  }
0x9b: {  	s22 =	simm.s32 $0x1BFF;
	s21 =	sshll.u32 s5, $0x1;
	s2 =	sadd.s32 s19, s18  }
0x9c: {  	s6 =	simm.s32 $0x0;
	s20 =	sshll.u32 s4, $0x1;
	s4 =	sadd.s32 s21, s2  }
0x9d: {  	[timem:s6], [sflag:s22] =	dma.local [hbm:s4], s20  }
0x9e: {  	_ =	swait.ge [sflag:s22], s20  }
0x9f: {  	s3 =	ssub.s32 $0x0, s20;
	[sflag:s22] =	ssyncset.done $0x0  }
0xa0: {  	[sflag:s22] =	ssyncadd.s32 s3;
	_ =	sdelay $0x1  }
0xa1: {  	s23 =	simm.s32 $0x1B8B  }
0xa2: {  	_ =	swait.ge [sflag:s23], $0x1  }
0xa3: {  	[sflag:s23] =	ssyncset.done $0x0  }
0xa4: {  	s25 =	simm.s32 $0x1B8E;
	s24 =	sld [smem:$0x3FFE];
	[sflag:s23] =	ssyncadd.s32 $0xFFFFFFFF  }
0xa5: {  	s26 =	simm.s32 $execute0_lowered;
	[smem:$0x3FD2] =	sst s25  }
0xa6: {  	s4 =	sshll.u32 s26, $0x1;
	_ =	strace $0x80000049;
	[dreg:$0x1] =	wrdreg $0xFFFFFFFF  }
0xa7: {  	s28 =	simm.s32 $_size_execute0_lowered;
	s2 =	sadd.s32 s2, s4;
	[dreg:$0x0] =	wrdreg $0x0  }
0xa8: {  	s4 =	sshll.u32 s28, $0x1;
	[dreg:$0x2] =	wrdreg s2  }
0xa9: {  	[dreg:$0x3] =	wrdreg s4  }
0xaa: {  	[dreg:$0x4] =	wrdreg $0xC0  }
0xab: {  	_ =	task [dreg:s6], $0x5FFFF  }
0xac: {  	[dreg:$0x1] =	wrdreg $0xFFFFFFFF  }
0xad: {  	[dreg:$0x0] =	wrdreg $0x60  }
0xae: {  	[dreg:$0x2] =	wrdreg s24  }
0xaf: {  	[dreg:$0x3] =	wrdreg $0x29000  }
0xb0: {  	[dreg:$0x4] =	wrdreg $0x9  }
0xb1: {  	_ =	task.clear_ibuf [dreg:s6], $0x5FFFF;
	_ =	strace $0x90000049  }
0xb2: {  	s29 =	simm.s32 $0x9;
	_ =	strace $0x8000004B  }
0xb3: {  	_ =	swait.ge [sflag:s29], $0x1  }
0xb4: {  	[sflag:s29] =	ssyncadd.s32 $0xFFFFFFFF  }
0xb5: {  	_ =	strace $0x9000004B  }
0xb6: {  	_ =	sfence  }
0xb7: {  	s30 =	sld [smem:$0x0];
	_ =	sdelay $0x2  }
0xb8: {  	s31 =	sshll.u32 s1, $0xD;
	s1 =	sshrl.u32 s1, $0x2  }
0xb9: {  	s3 =	sand.u32 $0x4000, s31;
	s1 =	sadd.s32 s1, s30  }
0xba: {  	s0 =	sor.u32 s3, s0;
	s1 =	sshll.u32 s1, $0x11  }
0xbb: {  	s0 =	sor.u32 s1, s0  }
0xbc: {  	s0 =	sadd.s32 $0x8F2B, s0  }
0xbd: {  	[sflag:s0] =	ssyncadd.remote.s32 $0x1  }
0xbe: {  	_ =	sfence.sel $0xFFFF  }
0xbf: {  	[dreg:$0x0] =	wrdreg $0xFFFFFFFF;
	(pc) =	sbr.abs _section_cstart, $3  }
0xc0: {  	[dreg:$0x1] =	wrdreg $0xFFFFFFFF  }
0xc1: {  	_ =	task.clear_ibuf [dreg:s6], $0x2FFFF;
	_ =	strace $0x9FFFFFFF  }
0xc2: {  	(tm) =	ssettm $0x7FFFFFFF  }
0xc3: {  	_ =	shalt  }
tec
execute0_lowered:
.L_overlay_start_1:
0x0: {  	(tag) =	ssettag $0x1  }
0x1: {  	s6 =	rddreg [dreg:$0x0]  }
0x2: {  	s2 =	rddreg [dreg:$0x1]  }
0x3: {  	s0 =	srdreg.scid;
	s1 =	rddreg [dreg:$0x2]  }
0x4: {  	s3 =	simm.s32 $0x0;
	s13 =	simm.s32 $0x80;
	s7 =	sand.u32 $0x1, s0  }
0x5: {  	s14 =	simm.s32 $0x50;
	s0 =	stileid.u32;
	s4 =	smul.u32 $0x27100, s7  }
0x6: {  	s15 =	simm.s32 $0x100;
	s16 =	simm.s32 $0x1;
	s5 =	smul.u32 $0x2710, s0  }
0x7: {  	s17 =	simm.s32 $0x0;
	[smem:$0x7FF] =	sst s3;
	s29 =	smul.u32 $0x140000, s7  }
0x8: {  	s8 =	smul.u32 $0x14000, s0;
	_ =	strace $0x8000004A;
	s7 =	ssub.s32 $0x2, s7  }
0x9: {  	s9 =	smul.u32 $0x50000, s0;
	s31 =	sshll.u32 s0, $0x6;
	s30 =	sshrl.u32 s7, $0x1  }
0xa: {  	s4 =	sadd.s32 s5, s4;
	s8 =	sadd.s32 s8, s29;
	s5 =	sadd.s32 $0x8EC00, s6  }
0xb: {  	s9 =	sshrl.u32 s9, $0x2;
	s11 =	ssub.s32 s7, s30;
	s4 =	sshrl.u32 s4, $0x3  }
0xc: {  	s8 =	sshrl.u32 s8, $0x3;
	s12 =	sadd.s32 s9, s2;
	s10 =	sadd.s32 s4, s6  }
0xd: {  	s4 =	sadd.s32 $0x67A00, s6;
	s8 =	sadd.s32 s8, s6;
	s6 =	sor.u32 $0x1C02, s31  }
0xe: {  	s7 =	sadd.s32 $0x91400, s8;
	s8 =	smax.u32 s11, $0x1;
	s9 =	sadd.s32 $0x5A00, s10  }
0xf: {  	s10 =	sadd.s32 $0xF800, s10;
	s11 =	sshrl.u32 s12, $0x3;
	s12 =	simm.s32 $0x2  }
.LBB2_1:
0x10: {  	[spmem:s11], [sflag:s6] =	dma.local [hbm:s5], $0x2800  }
0x11: {  	_ =	swait.ge [sflag:s12], $0x2800  }
0x12: {  	[sflag:s12] =	ssyncset.done $0x0  }
0x13: {  	[sflag:s12] =	ssyncadd.s32 $0xFFFFD800  }
0x14: {  	s18 =	sadd.s32 $0x0, s10;
	[bflag:$0x0] =	sbarrier.arrive $0xFFFF  }
0x15: {  	[tilespmem:s3], [sflag:$0x2] =	stream.linear.gather [hbm4b:s18+s3], $0x50, $0x38;
	[tilespmem:$0x16900] =	vst v63  }
0x16: {  	_ =	swait.ge [sflag:s12], $0x50  }
0x17: {  	[sflag:s12] =	ssyncset.done $0x0  }
0x18: {  	s31 =	sadd.s32 $0x0, s9;
	[sflag:s12] =	ssyncadd.s32 $0xFFFFFFB0  }
0x19: {  	[tilespmem:s13], [sflag:$0x2] =	stream.linear.gather [hbm4b:s31+s3], $0x50, $0x38;
	[tilespmem:$0x16900] =	vst v63  }
0x1a: {  	_ =	swait.ge [sflag:s12], $0x50  }
0x1b: {  	[sflag:s12] =	ssyncset.done $0x0  }
0x1c: {  	[sflag:s12] =	ssyncadd.s32 $0xFFFFFFB0  }
0x1d: {  	[tilespmem:s15], [sflag:$0x1] =	stream.indirect.gather [hbm4b:s4+s14], $0x80, s3, s14, $0xb8;
	[tilespmem:$0x16900] =	vst v63  }
0x1e: {  	_ =	swait.ge [sflag:s16], $0x2800  }
0x1f: {  	[sflag:s16] =	ssyncset.done $0x0  }
0x20: {  	[sflag:s16] =	ssyncadd.s32 $0xFFFFD800  }
0x21: {  	[spmem:s2] =	stream.indirect.scatter.add.f32 [tilespmem:s15], [sflag:$0x2], $0x80, s13, s14, $0xb8;
	[tilespmem:$0x16900] =	vst v63  }
0x22: {  	_ =	swait.ge [sflag:s12], $0x2800  }
0x23: {  	s19 =	simm.s32 $0x14;
	s18 =	simm.s32 $0xA;
	[sflag:s12] =	ssyncset.done $0x0  }
.LBB2_2:
0x24: {  	s20 =	sadd.s32 s18, s10  }
0x25: {  	[sflag:s12] =	ssyncadd.s32 $0xFFFFD800;
	s21 =	smov.u32 s19;
	s22 =	sadd.s32 $0xA, s19  }
0x26: {  	[tilespmem:s3], [sflag:$0x2] =	stream.linear.gather [hbm4b:s20+s3], $0x50, $0x38;
	[tilespmem:$0x16900] =	vst v63  }
0x27: {  	p0 =	sne.s32 s19, $0x4D8;
	_ =	swait.ge [sflag:s12], $0x50  }
0x28: {  	[sflag:s12] =	ssyncset.done $0x0  }
0x29: {  	s19 =	sadd.s32 s18, s9;
	s18 =	smov.u32 s21;
	[sflag:s12] =	ssyncadd.s32 $0xFFFFFFB0  }
0x2a: {  	[tilespmem:s13], [sflag:$0x2] =	stream.linear.gather [hbm4b:s19+s3], $0x50, $0x38;
	[tilespmem:$0x16900] =	vst v63  }
0x2b: {  	_ =	swait.ge [sflag:s12], $0x50  }
0x2c: {  	[sflag:s12] =	ssyncset.done $0x0  }
0x2d: {  	[sflag:s12] =	ssyncadd.s32 $0xFFFFFFB0  }
0x2e: {  	[tilespmem:s15], [sflag:$0x1] =	stream.indirect.gather [hbm4b:s4+s14], $0x80, s3, s14, $0xb8;
	[tilespmem:$0x16900] =	vst v63  }
0x2f: {  	_ =	swait.ge [sflag:s16], $0x2800  }
.Ltmp0:
0x30: {  	[sflag:s16] =	ssyncset.done $0x0;
	(pc) =	sbr.rel @p0 .LBB2_2-.Ltmp0, $4  }
0x31: {  	[sflag:s16] =	ssyncadd.s32 $0xFFFFD800  }
0x32: {  	[spmem:s2] =	stream.indirect.scatter.add.f32 [tilespmem:s15], [sflag:$0x2], $0x80, s13, s14, $0xb8;
	[tilespmem:$0x16900] =	vst v63  }
0x33: {  	_ =	swait.ge [sflag:s12], $0x2800  }
0x34: {  	s19 =	smov.u32 s22;
	[sflag:s12] =	ssyncset.done $0x0  }
0x35: {  	s19 =	sadd.s32 s18, s10;
	[sflag:s12] =	ssyncadd.s32 $0xFFFFD800  }
0x36: {  	[tilespmem:s3], [sflag:$0x2] =	stream.linear.gather [hbm4b:s19+s3], $0x50, $0x38;
	[tilespmem:$0x16900] =	vst v63  }
0x37: {  	_ =	swait.ge [sflag:s12], $0x50  }
0x38: {  	[sflag:s12] =	ssyncset.done $0x0  }
0x39: {  	s31 =	sadd.s32 s18, s9;
	[sflag:s12] =	ssyncadd.s32 $0xFFFFFFB0  }
0x3a: {  	[tilespmem:s13], [sflag:$0x2] =	stream.linear.gather [hbm4b:s31+s3], $0x50, $0x38;
	[tilespmem:$0x16900] =	vst v63  }
0x3b: {  	_ =	swait.ge [sflag:s12], $0x50  }
0x3c: {  	[sflag:s12] =	ssyncset.done $0x0  }
0x3d: {  	[sflag:s12] =	ssyncadd.s32 $0xFFFFFFB0  }
0x3e: {  	[tilespmem:s15], [sflag:$0x1] =	stream.indirect.gather [hbm4b:s4+s14], $0x80, s3, s14, $0xb8;
	[tilespmem:$0x16900] =	vst v63  }
0x3f: {  	_ =	swait.ge [sflag:s16], $0x2800  }
0x40: {  	[sflag:s16] =	ssyncset.done $0x0  }
0x41: {  	[sflag:s16] =	ssyncadd.s32 $0xFFFFD800  }
0x42: {  	[spmem:s2] =	stream.indirect.scatter.add.f32 [tilespmem:s15], [sflag:$0x2], $0x80, s13, s14, $0xb8;
	[tilespmem:$0x16900] =	vst v63  }
0x43: {  	_ =	swait.ge [sflag:s12], $0x2800  }
0x44: {  	s17 =	sadd.s32 $0x1, s17;
	[sflag:s12] =	ssyncset.done $0x0  }
0x45: {  	p0 =	sne.s32 s17, s8;
	[sflag:s12] =	ssyncadd.s32 $0xFFFFD800  }
.Ltmp1:
0x46: {  	[bflag:$0x0] =	sbarrier.arrive $0xFFFF;
	(pc) =	sbr.rel @p0 .LBB2_1-.Ltmp1, $4  }
0x47: {  	[hbm:s7], [sflag:s6] =	dma.local [spmem:s11], $0x2800  }
0x48: {  	_ =	swait.ge [sflag:s12], $0x2800  }
0x49: {  	[sflag:s12] =	ssyncset.done $0x0  }
0x4a: {  	[sflag:s12] =	ssyncadd.s32 $0xFFFFD800  }
0x4b: {  	_ =	sfence.sel $0x180000  }
0x4c: {  	[bflag:$0x0] =	sbarrier.arrive $0xFFFF  }
0x4d: {  	p0 =	sne.s32 s0, $0x0;
	_ =	strace $0x9000004A  }
0x4e: {  	s0 =	sadd.s32 @!p0 $0x100000, s1;
	[bflag:$0x2] =	sbarrier.arrive $0xFFFF  }
0x4f: {  	[sflag:s0] =	ssyncadd.tile.s32 @!p0 $0x1;
	_ =	shalt  }
.Lfunc_end2:
_tile_overlayer_lowered:
.L_overlay_start_2:
0x50: {  	(tag) =	ssettag $0x2  }
0x51: {  	s0 =	rddreg [dreg:$0x0];
	s2 =	stileid.u32  }
0x52: {  	s1 =	rddreg [dreg:$0x1];
	p0 =	sne.s32 s2, $0x0  }
0x53: {  	s3 =	rddreg [dreg:$0x2];
	[bflag:$0x3] =	sbarrier.arrive $0xFFFF;
	s2 =	simm.s32 @!p0 $0x1C02  }
0x54: {  	[timem:s3], [sflag:s2] =	dma.local @!p0 [hbm:s0], s1  }
0x55: {  	s0 =	simm.s32 @!p0 $0x2  }
0x56: {  	_ =	swait.ge @!p0 [sflag:s0], s1  }
0x57: {  	s1 =	ssub.s32 @!p0 $0x0, s1;
	[sflag:s0] =	ssyncset.done @!p0 $0x0  }
0x58: {  	[sflag:s0] =	ssyncadd.s32 @!p0 s1  }
0x59: {  	[bflag:$0x3] =	sbarrier.arrive $0xFFFF  }
0x5a: {  	_ =	shalt  }

// kernel: kernel.17.cloned.1.call-start
scs
__scs_entry_jumppad:
0x0: {  	(pc) =	sbr.rel $0x88, $3  }
0x1: {  	(tag) =	ssettag $0x0;
	lr =	simm.s32 $0x1  }
0x2: {  	[smem:$0x3F94] =	sst lr;
	_ =	strace $0xD0000000  }
0x3: {  	_ = 	snop  }
0x4: {  	_ = 	snop  }
0x5: {  	_ = 	snop  }
0x6: {  	_ = 	snop  }
0x7: {  	_ = 	snop  }
__scs_overlays_trampoline_lowered:
0x8: {  	[smem:$0x3FA3] =	sst s0  }
0x9: {  	[smem:$0x3FA4] =	sst s1  }
0xa: {  	[smem:$0x3FA5] =	sst s2  }
0xb: {  	[smem:$0x3FA6] =	sst s3  }
0xc: {  	[smem:$0x3FA7] =	sst s4  }
0xd: {  	[smem:$0x3FA8] =	sst s5  }
0xe: {  	[smem:$0x3FA9] =	sst s6  }
0xf: {  	[smem:$0x3FAA] =	sst s7  }
0x10: {  	[smem:$0x3FAB] =	sst s8  }
0x11: {  	[smem:$0x3FAC] =	sst s9;
	s0 =	simm.s32 @!p0 $0x0  }
0x12: {  	s1 =	sld [smem:$0x3F92];
	s0 =	simm.s32 @p0 $0x1  }
0x13: {  	[smem:$0x3FAD] =	sst s0;
	s0 =	simm.s32 @!p1 $0x0  }
0x14: {  	s2 =	sld [smem:$0x3F91];
	s0 =	simm.s32 @p1 $0x1  }
0x15: {  	[smem:$0x3FAE] =	sst s0;
	s0 =	simm.s32 @!p2 $0x0  }
0x16: {  	s3 =	sld [smem:$0x3FDB];
	s0 =	simm.s32 @p2 $0x1  }
0x17: {  	s4 =	simm.s32 $0x1BF5;
	[smem:$0x3FB0] =	sst s0  }
0x18: {  	s0 =	sld [smem:$0x3F93];
	_ =	swait.ge [sflag:s4], $0x0  }
0x19: {  	s7 =	sld [smem:$0x3F94]  }
0x1a: {  	s8 =	sadd.s32 $0xFFFFE003, lr  }
0x1b: {  	s9 =	sadd.s32 $0xFFFFFEF7, lr;
	s5 =	simm.s32 $0xFFFFFFFF;
	p2 =	slt.u32 s8, $0xFFFFF086  }
0x1c: {  	p1 =	slt.u32 s9, $0xF7A;
	s5 =	simm.s32 @!p2 $0x0  }
0x1d: {  	s5 =	simm.s32 @p1 $0x1;
	p0 =	seq.s32 s7, s2  }
0x1e: {  	s7 =	smul.u32 @!p0 $0xF7A, s2;
	p2 =	seq.s32 @!p0 s5, $0x0  }
0x1f: {  	s9 =	smul.u32 $0xF7A, s1;
	s8 =	simm.s32 @!p0 $0x1BF5;
	p2 =	por !p2, p0  }
0x20: {  	[sflag:s8] =	ssyncset.s32 @!p0 $0xFFFFF086;
	s6 =	sadd.s32 @!p0 s3, s7;
	s7 =	simm.s32 @!p0 $0x108  }
0x21: {  	s3 =	sadd.s32 s3, s9;
	s6 =	sadd.s32 @!p0 $0x88, s6;
	s7 =	simm.s32 @p2 $0x1082  }
0x22: {  	[simem:s7], [sflag:s8] =	dma.local @!p0 [hbm:s6], $0xF7A  }
0x23: {  	s9 =	sor.u32 $0xD0000000, s2;
	s6 =	simm.s32 $0x108;
	_ =	swait.ge @!p0 [sflag:s8], $0x0  }
0x24: {  	s3 =	sadd.s32 $0x88, s3;
	s6 =	simm.s32 @!p1 $0x1082;
	[sflag:s4] =	ssyncset.s32 $0xFFFFF086  }
0x25: {  	[simem:s6], [sflag:s4] =	dma.local [hbm:s3], $0xF7A  }
0x26: {  	[smem:$0x3F94] =	sst s1;
	(tag) =	ssettag s2;
	_ =	strace s9  }
0x27: {  	s1 =	sld [smem:$0x3FA4]  }
0x28: {  	s2 =	sld [smem:$0x3FA5]  }
0x29: {  	s4 =	sld [smem:$0x3FA7]  }
0x2a: {  	p0 =	seq.s32 s5, $0x0;
	s5 =	sld [smem:$0x3FA8]  }
0x2b: {  	s6 =	sld [smem:$0x3FA9]  }
0x2c: {  	s7 =	sld [smem:$0x3FAA]  }
0x2d: {  	s3 =	simm.s32 $0x108;
	s8 =	sld [smem:$0x3FAB]  }
0x2e: {  	s3 =	simm.s32 @!p0 $0x1082;
	s9 =	sld [smem:$0x3FAC]  }
0x2f: {  	lr =	sadd.s32 s0, s3;
	s0 =	sld [smem:$0x3FA3]  }
0x30: {  	s3 =	sld [smem:$0x3FA6]  }
0x31: {  	[smem:$0x3FAF] =	sst s10  }
0x32: {  	s10 =	sld [smem:$0x3FAD];
	_ =	sdelay $0x3  }
0x33: {  	p0 =	seq.s32 s10, $0x1;
	s10 =	sld [smem:$0x3FAF];
	_ =	sdelay $0x3  }
0x34: {  	[smem:$0x3FAF] =	sst s10  }
0x35: {  	s10 =	sld [smem:$0x3FAE];
	_ =	sdelay $0x3  }
0x36: {  	p1 =	seq.s32 s10, $0x1;
	s10 =	sld [smem:$0x3FAF];
	_ =	sdelay $0x3  }
0x37: {  	[smem:$0x3FAF] =	sst s10  }
0x38: {  	s10 =	sld [smem:$0x3FB0]  }
0x39: {  	_ = 	snop;
	(pc) =	sbr.ind lr, $3  }
0x3a: {  	_ = 	snop  }
0x3b: {  	_ = 	snop  }
0x3c: {  	p2 =	seq.s32 s10, $0x1;
	s10 =	sld [smem:$0x3FAF]  }
0x3d: {  	_ =	shalt  }
0x3e: {  	_ =	shalt  }
0x3f: {  	_ =	shalt  }
0x40: {  	_ =	shalt  }
0x41: {  	_ =	shalt  }
0x42: {  	_ =	shalt  }
0x43: {  	_ =	shalt  }
0x44: {  	_ =	shalt  }
0x45: {  	_ =	shalt  }
0x46: {  	_ =	shalt  }
0x47: {  	_ =	shalt  }
0x48: {  	_ =	shalt  }
0x49: {  	_ =	shalt  }
0x4a: {  	_ =	shalt  }
0x4b: {  	_ =	shalt  }
0x4c: {  	_ =	shalt  }
0x4d: {  	_ =	shalt  }
0x4e: {  	_ =	shalt  }
0x4f: {  	_ =	shalt  }
0x50: {  	_ =	shalt  }
0x51: {  	_ =	shalt  }
0x52: {  	_ =	shalt  }
0x53: {  	_ =	shalt  }
0x54: {  	_ =	shalt  }
0x55: {  	_ =	shalt  }
0x56: {  	_ =	shalt  }
0x57: {  	_ =	shalt  }
0x58: {  	_ =	shalt  }
0x59: {  	_ =	shalt  }
0x5a: {  	_ =	shalt  }
0x5b: {  	_ =	shalt  }
0x5c: {  	_ =	shalt  }
0x5d: {  	_ =	shalt  }
0x5e: {  	_ =	shalt  }
0x5f: {  	_ =	shalt  }
0x60: {  	_ =	shalt  }
0x61: {  	_ =	shalt  }
0x62: {  	_ =	shalt  }
0x63: {  	_ =	shalt  }
0x64: {  	_ =	shalt  }
0x65: {  	_ =	shalt  }
0x66: {  	_ =	shalt  }
0x67: {  	_ =	shalt  }
0x68: {  	_ =	shalt  }
0x69: {  	_ =	shalt  }
0x6a: {  	_ =	shalt  }
0x6b: {  	_ =	shalt  }
0x6c: {  	_ =	shalt  }
0x6d: {  	_ =	shalt  }
0x6e: {  	_ =	shalt  }
0x6f: {  	_ =	shalt  }
0x70: {  	_ =	shalt  }
0x71: {  	_ =	shalt  }
0x72: {  	_ =	shalt  }
0x73: {  	_ =	shalt  }
0x74: {  	_ =	shalt  }
0x75: {  	_ =	shalt  }
0x76: {  	_ =	shalt  }
0x77: {  	_ =	shalt  }
0x78: {  	_ =	shalt  }
0x79: {  	_ =	shalt  }
0x7a: {  	_ =	shalt  }
0x7b: {  	_ =	shalt  }
0x7c: {  	_ =	shalt  }
0x7d: {  	_ =	shalt  }
0x7e: {  	_ =	shalt  }
0x7f: {  	_ =	shalt  }
0x80: {  	_ =	shalt  }
0x81: {  	_ =	shalt  }
0x82: {  	_ =	shalt  }
0x83: {  	_ =	shalt  }
0x84: {  	_ =	shalt  }
0x85: {  	_ =	shalt  }
0x86: {  	_ =	shalt  }
0x87: {  	_ =	shalt  }
.Lfunc_end0:
.L_simem_size_0:
called_computation.2_lowered:
.L_overlay_start_0:
0x88: {  	s2 =	sld [smem:$0x3FD9]  }
0x89: {  	s3 =	sld [smem:$0x3FFE];
	_ =	sdelay $0x1  }
0x8a: {  	s1 =	srdreg.scid  }
0x8b: {  	s0 =	sand.u32 $0x1, s1  }
0x8c: {  	s16 =	sshll.u32 s0, $0xA;
	s2 =	sadd.s32 s3, s2  }
0x8d: {  	s2 =	sadd.s32 s2, s16  }
0x8e: {  	[smem:$0x3FBB] =	sst s2  }
0x8f: {  	_ = 	snop  }
0x90: {  	(tm) =	ssettm $0x1  }
0x91: {  	s17 =	sld [smem:$0x3FFB];
	_ =	sdelay $0x3  }
0x92: {  	_ =	strace s17  }
0x93: {  	s2 =	sld [smem:$0x3FFC];
	_ =	sdelay $0x3  }
0x94: {  	_ =	strace s2  }
0x95: {  	s2 =	sld [smem:$0x3FFD];
	_ =	sdelay $0x3  }
0x96: {  	_ =	strace s2  }
0x97: {  	_ =	strace $0x8FFFFFFF  }
0x98: {  	s18 =	sld [smem:$0x3FDB];
	_ =	sdelay $0x1  }
0x99: {  	s19 =	simm.s32 $_scs_section_size  }
0x9a: {  	s4 =	simm.s32 $_size__tile_overlayer_lowered;
	s5 =	simm.s32 $_tile_overlayer_lowered  }
0x9b: {  	s22 =	simm.s32 $0x1BFF;
	s21 =	sshll.u32 s5, $0x1;
	s2 =	sadd.s32 s19, s18  }
0x9c: {  	s6 =	simm.s32 $0x0;
	s20 =	sshll.u32 s4, $0x1;
	s4 =	sadd.s32 s21, s2  }
0x9d: {  	[timem:s6], [sflag:s22] =	dma.local [hbm:s4], s20  }
0x9e: {  	_ =	swait.ge [sflag:s22], s20  }
0x9f: {  	s3 =	ssub.s32 $0x0, s20;
	[sflag:s22] =	ssyncset.done $0x0  }
0xa0: {  	[sflag:s22] =	ssyncadd.s32 s3;
	_ =	sdelay $0x1  }
0xa1: {  	s23 =	simm.s32 $0x1B8B  }
0xa2: {  	_ =	swait.ge [sflag:s23], $0x1  }
0xa3: {  	[sflag:s23] =	ssyncset.done $0x0  }
0xa4: {  	s25 =	simm.s32 $0x1B8E;
	s24 =	sld [smem:$0x3FFE];
	[sflag:s23] =	ssyncadd.s32 $0xFFFFFFFF  }
0xa5: {  	s26 =	simm.s32 $execute0_lowered;
	[smem:$0x3FD2] =	sst s25  }
0xa6: {  	s4 =	sshll.u32 s26, $0x1;
	_ =	strace $0x8000004C;
	[dreg:$0x1] =	wrdreg $0xFFFFFFFF  }
0xa7: {  	s28 =	simm.s32 $_size_execute0_lowered;
	s2 =	sadd.s32 s2, s4;
	[dreg:$0x0] =	wrdreg $0x0  }
0xa8: {  	s4 =	sshll.u32 s28, $0x1;
	[dreg:$0x2] =	wrdreg s2  }
0xa9: {  	[dreg:$0x3] =	wrdreg s4  }
0xaa: {  	[dreg:$0x4] =	wrdreg $0xC0  }
0xab: {  	_ =	task [dreg:s6], $0x5FFFF  }
0xac: {  	[dreg:$0x1] =	wrdreg $0xFFFFFFFF  }
0xad: {  	[dreg:$0x0] =	wrdreg $0x60  }
0xae: {  	[dreg:$0x2] =	wrdreg s24  }
0xaf: {  	[dreg:$0x3] =	wrdreg $0x29000  }
0xb0: {  	[dreg:$0x4] =	wrdreg $0x9  }
0xb1: {  	_ =	task.clear_ibuf [dreg:s6], $0x5FFFF;
	_ =	strace $0x9000004C  }
0xb2: {  	s29 =	simm.s32 $0x9;
	_ =	strace $0x8000004E  }
0xb3: {  	_ =	swait.ge [sflag:s29], $0x1  }
0xb4: {  	[sflag:s29] =	ssyncadd.s32 $0xFFFFFFFF  }
0xb5: {  	_ =	strace $0x9000004E  }
0xb6: {  	_ =	sfence  }
0xb7: {  	s30 =	sld [smem:$0x0];
	_ =	sdelay $0x2  }
0xb8: {  	s31 =	sshll.u32 s1, $0xD;
	s1 =	sshrl.u32 s1, $0x2  }
0xb9: {  	s3 =	sand.u32 $0x4000, s31;
	s1 =	sadd.s32 s1, s30  }
0xba: {  	s0 =	sor.u32 s3, s0;
	s1 =	sshll.u32 s1, $0x11  }
0xbb: {  	s0 =	sor.u32 s1, s0  }
0xbc: {  	s0 =	sadd.s32 $0x8F2B, s0  }
0xbd: {  	[sflag:s0] =	ssyncadd.remote.s32 $0x1  }
0xbe: {  	_ =	sfence.sel $0xFFFF  }
0xbf: {  	[dreg:$0x0] =	wrdreg $0xFFFFFFFF;
	(pc) =	sbr.abs _section_cstart, $3  }
0xc0: {  	[dreg:$0x1] =	wrdreg $0xFFFFFFFF  }
0xc1: {  	_ =	task.clear_ibuf [dreg:s6], $0x2FFFF;
	_ =	strace $0x9FFFFFFF  }
0xc2: {  	(tm) =	ssettm $0x7FFFFFFF  }
0xc3: {  	_ =	shalt  }
tec
execute0_lowered:
.L_overlay_start_1:
0x0: {  	(tag) =	ssettag $0x1  }
0x1: {  	s6 =	rddreg [dreg:$0x0]  }
0x2: {  	s2 =	rddreg [dreg:$0x1]  }
0x3: {  	s0 =	srdreg.scid;
	s1 =	rddreg [dreg:$0x2]  }
0x4: {  	s3 =	simm.s32 $0x0;
	s13 =	simm.s32 $0x80;
	s7 =	sand.u32 $0x1, s0  }
0x5: {  	s14 =	simm.s32 $0x50;
	s0 =	stileid.u32;
	s4 =	smul.u32 $0x27100, s7  }
0x6: {  	s15 =	simm.s32 $0x100;
	s16 =	simm.s32 $0x1;
	s5 =	smul.u32 $0x2710, s0  }
0x7: {  	s17 =	simm.s32 $0x0;
	[smem:$0x7FF] =	sst s3;
	s29 =	smul.u32 $0x140000, s7  }
0x8: {  	s8 =	smul.u32 $0x14000, s0;
	_ =	strace $0x8000004D;
	s7 =	ssub.s32 $0x2, s7  }
0x9: {  	s9 =	smul.u32 $0x50000, s0;
	s31 =	sshll.u32 s0, $0x6;
	s30 =	sshrl.u32 s7, $0x1  }
0xa: {  	s4 =	sadd.s32 s5, s4;
	s8 =	sadd.s32 s8, s29;
	s5 =	sadd.s32 $0x8EC00, s6  }
0xb: {  	s9 =	sshrl.u32 s9, $0x2;
	s11 =	ssub.s32 s7, s30;
	s4 =	sshrl.u32 s4, $0x3  }
0xc: {  	s8 =	sshrl.u32 s8, $0x3;
	s12 =	sadd.s32 s9, s2;
	s10 =	sadd.s32 s4, s6  }
0xd: {  	s4 =	sadd.s32 $0x67A00, s6;
	s8 =	sadd.s32 s8, s6;
	s6 =	sor.u32 $0x1C02, s31  }
0xe: {  	s7 =	sadd.s32 $0x91400, s8;
	s8 =	smax.u32 s11, $0x1;
	s9 =	sadd.s32 $0x5A00, s10  }
0xf: {  	s10 =	sadd.s32 $0xF800, s10;
	s11 =	sshrl.u32 s12, $0x3;
	s12 =	simm.s32 $0x2  }
.LBB2_1:
0x10: {  	[spmem:s11], [sflag:s6] =	dma.local [hbm:s5], $0x2800  }
0x11: {  	_ =	swait.ge [sflag:s12], $0x2800  }
0x12: {  	[sflag:s12] =	ssyncset.done $0x0  }
0x13: {  	[sflag:s12] =	ssyncadd.s32 $0xFFFFD800  }
0x14: {  	s18 =	sadd.s32 $0x0, s10;
	[bflag:$0x0] =	sbarrier.arrive $0xFFFF  }
0x15: {  	[tilespmem:s3], [sflag:$0x2] =	stream.linear.gather [hbm4b:s18+s3], $0x50, $0x38;
	[tilespmem:$0x16900] =	vst v63  }
0x16: {  	_ =	swait.ge [sflag:s12], $0x50  }
0x17: {  	[sflag:s12] =	ssyncset.done $0x0  }
0x18: {  	s31 =	sadd.s32 $0x0, s9;
	[sflag:s12] =	ssyncadd.s32 $0xFFFFFFB0  }
0x19: {  	[tilespmem:s13], [sflag:$0x2] =	stream.linear.gather [hbm4b:s31+s3], $0x50, $0x38;
	[tilespmem:$0x16900] =	vst v63  }
0x1a: {  	_ =	swait.ge [sflag:s12], $0x50  }
0x1b: {  	[sflag:s12] =	ssyncset.done $0x0  }
0x1c: {  	[sflag:s12] =	ssyncadd.s32 $0xFFFFFFB0  }
0x1d: {  	[tilespmem:s15], [sflag:$0x1] =	stream.indirect.gather [hbm4b:s4+s14], $0x80, s3, s14, $0xb8;
	[tilespmem:$0x16900] =	vst v63  }
0x1e: {  	_ =	swait.ge [sflag:s16], $0x2800  }
0x1f: {  	[sflag:s16] =	ssyncset.done $0x0  }
0x20: {  	[sflag:s16] =	ssyncadd.s32 $0xFFFFD800  }
0x21: {  	[spmem:s2] =	stream.indirect.scatter.add.f32 [tilespmem:s15], [sflag:$0x2], $0x80, s13, s14, $0xb8;
	[tilespmem:$0x16900] =	vst v63  }
0x22: {  	_ =	swait.ge [sflag:s12], $0x2800  }
0x23: {  	s19 =	simm.s32 $0x14;
	s18 =	simm.s32 $0xA;
	[sflag:s12] =	ssyncset.done $0x0  }
.LBB2_2:
0x24: {  	s20 =	sadd.s32 s18, s10  }
0x25: {  	[sflag:s12] =	ssyncadd.s32 $0xFFFFD800;
	s21 =	smov.u32 s19;
	s22 =	sadd.s32 $0xA, s19  }
0x26: {  	[tilespmem:s3], [sflag:$0x2] =	stream.linear.gather [hbm4b:s20+s3], $0x50, $0x38;
	[tilespmem:$0x16900] =	vst v63  }
0x27: {  	p0 =	sne.s32 s19, $0x4D8;
	_ =	swait.ge [sflag:s12], $0x50  }
0x28: {  	[sflag:s12] =	ssyncset.done $0x0  }
0x29: {  	s19 =	sadd.s32 s18, s9;
	s18 =	smov.u32 s21;
	[sflag:s12] =	ssyncadd.s32 $0xFFFFFFB0  }
0x2a: {  	[tilespmem:s13], [sflag:$0x2] =	stream.linear.gather [hbm4b:s19+s3], $0x50, $0x38;
	[tilespmem:$0x16900] =	vst v63  }
0x2b: {  	_ =	swait.ge [sflag:s12], $0x50  }
0x2c: {  	[sflag:s12] =	ssyncset.done $0x0  }
0x2d: {  	[sflag:s12] =	ssyncadd.s32 $0xFFFFFFB0  }
0x2e: {  	[tilespmem:s15], [sflag:$0x1] =	stream.indirect.gather [hbm4b:s4+s14], $0x80, s3, s14, $0xb8;
	[tilespmem:$0x16900] =	vst v63  }
0x2f: {  	_ =	swait.ge [sflag:s16], $0x2800  }
.Ltmp0:
0x30: {  	[sflag:s16] =	ssyncset.done $0x0;
	(pc) =	sbr.rel @p0 .LBB2_2-.Ltmp0, $4  }
0x31: {  	[sflag:s16] =	ssyncadd.s32 $0xFFFFD800  }
0x32: {  	[spmem:s2] =	stream.indirect.scatter.add.f32 [tilespmem:s15], [sflag:$0x2], $0x80, s13, s14, $0xb8;
	[tilespmem:$0x16900] =	vst v63  }
0x33: {  	_ =	swait.ge [sflag:s12], $0x2800  }
0x34: {  	s19 =	smov.u32 s22;
	[sflag:s12] =	ssyncset.done $0x0  }
0x35: {  	s19 =	sadd.s32 s18, s10;
	[sflag:s12] =	ssyncadd.s32 $0xFFFFD800  }
0x36: {  	[tilespmem:s3], [sflag:$0x2] =	stream.linear.gather [hbm4b:s19+s3], $0x50, $0x38;
	[tilespmem:$0x16900] =	vst v63  }
0x37: {  	_ =	swait.ge [sflag:s12], $0x50  }
0x38: {  	[sflag:s12] =	ssyncset.done $0x0  }
0x39: {  	s31 =	sadd.s32 s18, s9;
	[sflag:s12] =	ssyncadd.s32 $0xFFFFFFB0  }
0x3a: {  	[tilespmem:s13], [sflag:$0x2] =	stream.linear.gather [hbm4b:s31+s3], $0x50, $0x38;
	[tilespmem:$0x16900] =	vst v63  }
0x3b: {  	_ =	swait.ge [sflag:s12], $0x50  }
0x3c: {  	[sflag:s12] =	ssyncset.done $0x0  }
0x3d: {  	[sflag:s12] =	ssyncadd.s32 $0xFFFFFFB0  }
0x3e: {  	[tilespmem:s15], [sflag:$0x1] =	stream.indirect.gather [hbm4b:s4+s14], $0x80, s3, s14, $0xb8;
	[tilespmem:$0x16900] =	vst v63  }
0x3f: {  	_ =	swait.ge [sflag:s16], $0x2800  }
0x40: {  	[sflag:s16] =	ssyncset.done $0x0  }
0x41: {  	[sflag:s16] =	ssyncadd.s32 $0xFFFFD800  }
0x42: {  	[spmem:s2] =	stream.indirect.scatter.add.f32 [tilespmem:s15], [sflag:$0x2], $0x80, s13, s14, $0xb8;
	[tilespmem:$0x16900] =	vst v63  }
0x43: {  	_ =	swait.ge [sflag:s12], $0x2800  }
0x44: {  	s17 =	sadd.s32 $0x1, s17;
	[sflag:s12] =	ssyncset.done $0x0  }
0x45: {  	p0 =	sne.s32 s17, s8;
	[sflag:s12] =	ssyncadd.s32 $0xFFFFD800  }
.Ltmp1:
0x46: {  	[bflag:$0x0] =	sbarrier.arrive $0xFFFF;
	(pc) =	sbr.rel @p0 .LBB2_1-.Ltmp1, $4  }
0x47: {  	[hbm:s7], [sflag:s6] =	dma.local [spmem:s11], $0x2800  }
0x48: {  	_ =	swait.ge [sflag:s12], $0x2800  }
0x49: {  	[sflag:s12] =	ssyncset.done $0x0  }
0x4a: {  	[sflag:s12] =	ssyncadd.s32 $0xFFFFD800  }
0x4b: {  	_ =	sfence.sel $0x180000  }
0x4c: {  	[bflag:$0x0] =	sbarrier.arrive $0xFFFF  }
0x4d: {  	p0 =	sne.s32 s0, $0x0;
	_ =	strace $0x9000004D  }
0x4e: {  	s0 =	sadd.s32 @!p0 $0x100000, s1;
	[bflag:$0x2] =	sbarrier.arrive $0xFFFF  }
0x4f: {  	[sflag:s0] =	ssyncadd.tile.s32 @!p0 $0x1;
	_ =	shalt  }
.Lfunc_end2:
_tile_overlayer_lowered:
.L_overlay_start_2:
0x50: {  	(tag) =	ssettag $0x2  }
0x51: {  	s0 =	rddreg [dreg:$0x0];
	s2 =	stileid.u32  }
0x52: {  	s1 =	rddreg [dreg:$0x1];
	p0 =	sne.s32 s2, $0x0  }
0x53: {  	s3 =	rddreg [dreg:$0x2];
	[bflag:$0x3] =	sbarrier.arrive $0xFFFF;
	s2 =	simm.s32 @!p0 $0x1C02  }
0x54: {  	[timem:s3], [sflag:s2] =	dma.local @!p0 [hbm:s0], s1  }
0x55: {  	s0 =	simm.s32 @!p0 $0x2  }
0x56: {  	_ =	swait.ge @!p0 [sflag:s0], s1  }
0x57: {  	s1 =	ssub.s32 @!p0 $0x0, s1;
	[sflag:s0] =	ssyncset.done @!p0 $0x0  }
0x58: {  	[sflag:s0] =	ssyncadd.s32 @!p0 s1  }
0x59: {  	[bflag:$0x3] =	sbarrier.arrive $0xFFFF  }
0x5a: {  	_ =	shalt  }

</sc_bundles>
